<compile_context>
chip_gen: v7x
topology: tpu7x:2x2x1
jax: 0.10.2.dev20260603
libtpu: 0.0.44.dev20260713+nightly
codegen_flags: <defaults>
</compile_context>

<pallas_src>
import functools

import jax
import jax.numpy as jnp
from jax import lax
from jax.experimental import pallas as pl
from jax.experimental.pallas import tpu as pltpu
from jax.experimental.pallas import tpu_sc as plsc

_VOCAB = 100000
_DIM = 128
_CTX = 20
_LATENT = 128
_BV = 5000
_NB = _VOCAB // _BV
_S = 4
_NBH = _NB // _S


def _gather_sc(idx, table):
    mesh = plsc.ScalarSubcoreMesh(axis_name="c", num_cores=1)

    @functools.partial(
        pl.kernel,
        mesh=mesh,
        out_type=jax.ShapeDtypeStruct((_CTX, _DIM), jnp.float32),
        scratch_types=[
            pltpu.SMEM((_CTX,), jnp.int32),
            pltpu.SemaphoreType.DMA,
        ],
    )
    def k(idx_hbm, table_hbm, out_hbm, idx_s, sem):
        pltpu.sync_copy(idx_hbm, idx_s)
        copies = []
        for c in range(_CTX):
            copies.append(pltpu.async_copy(
                table_hbm.at[pl.ds(idx_s[c], 1)],
                out_hbm.at[pl.ds(c, 1)], sem))
        for cp in copies:
            cp.wait()

    return k(idx, table)


def _tc_main(embeds, W1, b1r, W2, b2r):
    def body(*refs):
        (emb_ref, w1_ref, b1_ref), w2_refs, b2_refs = (
            refs[:3], refs[3:3 + 2 * _S:2], refs[4:3 + 2 * _S:2])
        out_ref = refs[3 + 2 * _S]
        h_ref, m_ref, s_ref = refs[4 + 2 * _S:]
        i = pl.program_id(0)

        @pl.when(i == 0)
        def _init():
            acc = jnp.zeros((1, _LATENT), jnp.float32)
            for c in range(_CTX):
                e_c = emb_ref[pl.ds(c, 1), :]
                w1s = w1_ref[:, pl.ds(c * _DIM, _DIM)]
                acc = acc + lax.dot_general(
                    e_c, w1s, (((1,), (1,)), ((), ())),
                    preferred_element_type=jnp.float32)
            h_ref[...] = jnp.maximum(acc + b1_ref[...], 0.0)
            m_ref[...] = jnp.full((1, 1), -jnp.inf, jnp.float32)
            s_ref[...] = jnp.zeros((1, 1), jnp.float32)

        h = h_ref[...]
        ls = []
        for s in range(_S):
            l = (lax.dot_general(
                h, w2_refs[s][0], (((1,), (1,)), ((), ())),
                preferred_element_type=jnp.float32,
                precision=lax.Precision.DEFAULT)
                 + b2_refs[s][0])
            out_ref[s * _NBH + i] = l
            ls.append(l)
        m_old = m_ref[...]
        s_old = s_ref[...]
        bm = m_old
        for l in ls:
            bm = jnp.maximum(bm, jnp.max(l, axis=1, keepdims=True))
        m_new = bm
        se = jnp.zeros((1, 1), jnp.float32)
        for l in ls:
            se = se + jnp.sum(jnp.exp(l - m_new), axis=1, keepdims=True)
        s_new = s_old * jnp.exp(m_old - m_new) + se
        m_ref[...] = m_new
        s_ref[...] = s_new

        @pl.when(i == _NBH - 1)
        def _fin():
            lse = m_new + jnp.log(s_new)
            for j in range(_NB):
                out_ref[j] = out_ref[j] - lse

    w2_specs = []
    for s in range(_S):
        w2_specs.append(pl.BlockSpec(
            (1, _BV, _DIM), functools.partial(
                lambda s, i: (s * _NBH + i, 0, 0), s)))
        w2_specs.append(pl.BlockSpec(
            (1, 1, _BV), functools.partial(
                lambda s, i: (s * _NBH + i, 0, 0), s)))
    out3 = pl.pallas_call(
        body,
        grid=(_NBH,),
        in_specs=[
            pl.BlockSpec((_CTX, _DIM), lambda i: (0, 0)),
            pl.BlockSpec((_LATENT, _CTX * _DIM), lambda i: (0, 0)),
            pl.BlockSpec((1, _LATENT), lambda i: (0, 0)),
        ] + w2_specs,
        out_specs=pl.BlockSpec((_NB, 1, _BV), lambda i: (0, 0, 0)),
        out_shape=jax.ShapeDtypeStruct((_NB, 1, _BV), jnp.float32),
        scratch_shapes=[
            pltpu.VMEM((1, _LATENT), jnp.float32),
            pltpu.VMEM((1, 1), jnp.float32),
            pltpu.VMEM((1, 1), jnp.float32),
        ],
        compiler_params=pltpu.CompilerParams(
            dimension_semantics=("arbitrary",)),
    )(embeds, W1, b1r,
      *([W2.reshape(_NB, _BV, _DIM), b2r.reshape(_NB, 1, _BV)] * _S))
    return out3.reshape(1, _VOCAB)


def kernel(inputs, table, W1, b1, W2, b2):
    idx = inputs.astype(jnp.int32)
    embeds = _gather_sc(idx, table)
    return _tc_main(embeds, W1, b1.reshape(1, _LATENT), W2,
                    b2.reshape(1, _VOCAB))

# --- scband reference (transcript-rebuilt; emitter-appended) ---
"""Pipeline reference for scband-ngram-langauge-modeler-17197049053561 (READ-ONLY COPY).

The authoritative reference and input builder live on the scoring server;
editing this copy changes nothing except your own understanding.
"""

import jax, jax.numpy as jnp
import numpy as np

VOCAB = 100000
DIM = 128
CTX = 20
LATENT = 128

def setup_inputs(seed: int = 0) -> dict:
    key = jax.random.key(seed)
    k1, k2, k3, k4 = jax.random.split(key, 4)
    inputs = jax.random.randint(k1, (CTX,), 0, VOCAB, dtype=jnp.int64) if jax.config.read('jax_enable_x64') else jax.random.randint(k1, (CTX,), 0, VOCAB)
    table = jax.random.normal(k2, (VOCAB, DIM), dtype=jnp.float32)
    W1 = jax.random.normal(k3, (LATENT, CTX * DIM), dtype=jnp.float32) * 0.02
    b1 = jnp.zeros((LATENT,), dtype=jnp.float32)
    W2 = jax.random.normal(k4, (VOCAB, LATENT), dtype=jnp.float32) * 0.02
    b2 = jnp.zeros((VOCAB,), dtype=jnp.float32)
    return {"inputs": inputs, "table": table, "W1": W1, "b1": b1, "W2": W2, "b2": b2}

def reference(inputs, table, W1, b1, W2, b2):
    # embedding lookup (gather) then flatten to (1, CTX*DIM)
    embeds = jnp.take(table, inputs, axis=0).reshape((1, -1))
    # linear1 + relu (torch Linear: x @ W.T + b)
    h = jax.nn.relu(embeds @ W1.T + b1)
    # linear2
    logits = h @ W2.T + b2
    # log_softmax over vocab
    log_probs = jax.nn.log_softmax(logits, axis=1)
    return log_probs

if __name__ == "__main__":
    import jax
    _d = setup_inputs()
    print(jax.jit(kernel)(*tuple(_d.values())))

</pallas_src>

<mosaic_0001>
#map = affine_map<(d0) -> (0)>
#map1 = affine_map<(d0) -> (0, 0)>
module attributes {stable_mosaic.version = 14 : i64} {
  func.func @k(%arg0: i32, %arg1: memref<20xi32, #tpu.memory_space<hbm>>, %arg2: memref<100000x128xf32, #tpu.memory_space<hbm>>, %arg3: memref<20x128xf32, #tpu.memory_space<hbm>>, %arg4: memref<20xi32, #tpu.memory_space<smem>>, %arg5: memref<!tpu.dma_semaphore, #tpu.memory_space<semaphore_mem>>) attributes {dimension_semantics = [#tpu.dimension_semantics<core_parallel>], iteration_bounds = array<i64: 1>, scalar_prefetch = 0 : i64, scratch_operands = 2 : i64, tpu.core_type = #tpu.core_type<sc_scalar_subcore>, window_params = [{transform_indices = #map}, {transform_indices = #map1}, {transform_indices = #map1}]} {
    "tpu.region"() ({
      %run_scoped3A = tpu.sem_alloc : memref<!tpu.dma_semaphore, #tpu.memory_space<semaphore_mem>>
      tpu.enqueue_dma source(%arg1 : memref<20xi32, #tpu.memory_space<hbm>>) target(%arg4 : memref<20xi32, #tpu.memory_space<smem>>) target_semaphore(%run_scoped3A : memref<!tpu.dma_semaphore, #tpu.memory_space<semaphore_mem>>)
      tpu.wait_dma2 semaphore(%run_scoped3A : memref<!tpu.dma_semaphore, #tpu.memory_space<semaphore_mem>>) src(%arg1 : memref<20xi32, #tpu.memory_space<hbm>>) dst(%arg4 : memref<20xi32, #tpu.memory_space<smem>>)
      tpu.yield
    }) : () -> ()
    %get3A = arith.constant 0 : i32
    %get3A_0 = arith.index_cast %get3A : i32 to index
    %get3A_1 = memref.load %arg4[%get3A_0] : memref<20xi32, #tpu.memory_space<smem>>
    %dma_start3A = arith.constant 0 : i32
    %dma_start3A_2 = arith.constant 0 : i32
    %dma_start3A_3 = tpu.memref_slice %arg3[%dma_start3A, %dma_start3A_2] : memref<20x128xf32, #tpu.memory_space<hbm>> -> memref<1x128xf32, #tpu.memory_space<hbm>>
    %dma_start3A_4 = arith.constant 0 : i32
    %dma_start3A_5 = tpu.memref_slice %arg2[%get3A_1, %dma_start3A_4] : memref<100000x128xf32, #tpu.memory_space<hbm>> -> memref<1x128xf32, #tpu.memory_space<hbm>>
    tpu.enqueue_dma source(%dma_start3A_5 : memref<1x128xf32, #tpu.memory_space<hbm>>) target(%dma_start3A_3 : memref<1x128xf32, #tpu.memory_space<hbm>>) target_semaphore(%arg5 : memref<!tpu.dma_semaphore, #tpu.memory_space<semaphore_mem>>)
    %get3A_6 = arith.constant 1 : i32
    %get3A_7 = arith.index_cast %get3A_6 : i32 to index
    %get3A_8 = memref.load %arg4[%get3A_7] : memref<20xi32, #tpu.memory_space<smem>>
    %dma_start3A_9 = arith.constant 1 : i32
    %dma_start3A_10 = arith.constant 0 : i32
    %dma_start3A_11 = tpu.memref_slice %arg3[%dma_start3A_9, %dma_start3A_10] : memref<20x128xf32, #tpu.memory_space<hbm>> -> memref<1x128xf32, #tpu.memory_space<hbm>>
    %dma_start3A_12 = arith.constant 0 : i32
    %dma_start3A_13 = tpu.memref_slice %arg2[%get3A_8, %dma_start3A_12] : memref<100000x128xf32, #tpu.memory_space<hbm>> -> memref<1x128xf32, #tpu.memory_space<hbm>>
    tpu.enqueue_dma source(%dma_start3A_13 : memref<1x128xf32, #tpu.memory_space<hbm>>) target(%dma_start3A_11 : memref<1x128xf32, #tpu.memory_space<hbm>>) target_semaphore(%arg5 : memref<!tpu.dma_semaphore, #tpu.memory_space<semaphore_mem>>)
    %get3A_14 = arith.constant 2 : i32
    %get3A_15 = arith.index_cast %get3A_14 : i32 to index
    %get3A_16 = memref.load %arg4[%get3A_15] : memref<20xi32, #tpu.memory_space<smem>>
    %dma_start3A_17 = arith.constant 2 : i32
    %dma_start3A_18 = arith.constant 0 : i32
    %dma_start3A_19 = tpu.memref_slice %arg3[%dma_start3A_17, %dma_start3A_18] : memref<20x128xf32, #tpu.memory_space<hbm>> -> memref<1x128xf32, #tpu.memory_space<hbm>>
    %dma_start3A_20 = arith.constant 0 : i32
    %dma_start3A_21 = tpu.memref_slice %arg2[%get3A_16, %dma_start3A_20] : memref<100000x128xf32, #tpu.memory_space<hbm>> -> memref<1x128xf32, #tpu.memory_space<hbm>>
    tpu.enqueue_dma source(%dma_start3A_21 : memref<1x128xf32, #tpu.memory_space<hbm>>) target(%dma_start3A_19 : memref<1x128xf32, #tpu.memory_space<hbm>>) target_semaphore(%arg5 : memref<!tpu.dma_semaphore, #tpu.memory_space<semaphore_mem>>)
    %get3A_22 = arith.constant 3 : i32
    %get3A_23 = arith.index_cast %get3A_22 : i32 to index
    %get3A_24 = memref.load %arg4[%get3A_23] : memref<20xi32, #tpu.memory_space<smem>>
    %dma_start3A_25 = arith.constant 3 : i32
    %dma_start3A_26 = arith.constant 0 : i32
    %dma_start3A_27 = tpu.memref_slice %arg3[%dma_start3A_25, %dma_start3A_26] : memref<20x128xf32, #tpu.memory_space<hbm>> -> memref<1x128xf32, #tpu.memory_space<hbm>>
    %dma_start3A_28 = arith.constant 0 : i32
    %dma_start3A_29 = tpu.memref_slice %arg2[%get3A_24, %dma_start3A_28] : memref<100000x128xf32, #tpu.memory_space<hbm>> -> memref<1x128xf32, #tpu.memory_space<hbm>>
    tpu.enqueue_dma source(%dma_start3A_29 : memref<1x128xf32, #tpu.memory_space<hbm>>) target(%dma_start3A_27 : memref<1x128xf32, #tpu.memory_space<hbm>>) target_semaphore(%arg5 : memref<!tpu.dma_semaphore, #tpu.memory_space<semaphore_mem>>)
    %get3A_30 = arith.constant 4 : i32
    %get3A_31 = arith.index_cast %get3A_30 : i32 to index
    %get3A_32 = memref.load %arg4[%get3A_31] : memref<20xi32, #tpu.memory_space<smem>>
    %dma_start3A_33 = arith.constant 4 : i32
    %dma_start3A_34 = arith.constant 0 : i32
    %dma_start3A_35 = tpu.memref_slice %arg3[%dma_start3A_33, %dma_start3A_34] : memref<20x128xf32, #tpu.memory_space<hbm>> -> memref<1x128xf32, #tpu.memory_space<hbm>>
    %dma_start3A_36 = arith.constant 0 : i32
    %dma_start3A_37 = tpu.memref_slice %arg2[%get3A_32, %dma_start3A_36] : memref<100000x128xf32, #tpu.memory_space<hbm>> -> memref<1x128xf32, #tpu.memory_space<hbm>>
    tpu.enqueue_dma source(%dma_start3A_37 : memref<1x128xf32, #tpu.memory_space<hbm>>) target(%dma_start3A_35 : memref<1x128xf32, #tpu.memory_space<hbm>>) target_semaphore(%arg5 : memref<!tpu.dma_semaphore, #tpu.memory_space<semaphore_mem>>)
    %get3A_38 = arith.constant 5 : i32
    %get3A_39 = arith.index_cast %get3A_38 : i32 to index
    %get3A_40 = memref.load %arg4[%get3A_39] : memref<20xi32, #tpu.memory_space<smem>>
    %dma_start3A_41 = arith.constant 5 : i32
    %dma_start3A_42 = arith.constant 0 : i32
    %dma_start3A_43 = tpu.memref_slice %arg3[%dma_start3A_41, %dma_start3A_42] : memref<20x128xf32, #tpu.memory_space<hbm>> -> memref<1x128xf32, #tpu.memory_space<hbm>>
    %dma_start3A_44 = arith.constant 0 : i32
    %dma_start3A_45 = tpu.memref_slice %arg2[%get3A_40, %dma_start3A_44] : memref<100000x128xf32, #tpu.memory_space<hbm>> -> memref<1x128xf32, #tpu.memory_space<hbm>>
    tpu.enqueue_dma source(%dma_start3A_45 : memref<1x128xf32, #tpu.memory_space<hbm>>) target(%dma_start3A_43 : memref<1x128xf32, #tpu.memory_space<hbm>>) target_semaphore(%arg5 : memref<!tpu.dma_semaphore, #tpu.memory_space<semaphore_mem>>)
    %get3A_46 = arith.constant 6 : i32
    %get3A_47 = arith.index_cast %get3A_46 : i32 to index
    %get3A_48 = memref.load %arg4[%get3A_47] : memref<20xi32, #tpu.memory_space<smem>>
    %dma_start3A_49 = arith.constant 6 : i32
    %dma_start3A_50 = arith.constant 0 : i32
    %dma_start3A_51 = tpu.memref_slice %arg3[%dma_start3A_49, %dma_start3A_50] : memref<20x128xf32, #tpu.memory_space<hbm>> -> memref<1x128xf32, #tpu.memory_space<hbm>>
    %dma_start3A_52 = arith.constant 0 : i32
    %dma_start3A_53 = tpu.memref_slice %arg2[%get3A_48, %dma_start3A_52] : memref<100000x128xf32, #tpu.memory_space<hbm>> -> memref<1x128xf32, #tpu.memory_space<hbm>>
    tpu.enqueue_dma source(%dma_start3A_53 : memref<1x128xf32, #tpu.memory_space<hbm>>) target(%dma_start3A_51 : memref<1x128xf32, #tpu.memory_space<hbm>>) target_semaphore(%arg5 : memref<!tpu.dma_semaphore, #tpu.memory_space<semaphore_mem>>)
    %get3A_54 = arith.constant 7 : i32
    %get3A_55 = arith.index_cast %get3A_54 : i32 to index
    %get3A_56 = memref.load %arg4[%get3A_55] : memref<20xi32, #tpu.memory_space<smem>>
    %dma_start3A_57 = arith.constant 7 : i32
    %dma_start3A_58 = arith.constant 0 : i32
    %dma_start3A_59 = tpu.memref_slice %arg3[%dma_start3A_57, %dma_start3A_58] : memref<20x128xf32, #tpu.memory_space<hbm>> -> memref<1x128xf32, #tpu.memory_space<hbm>>
    %dma_start3A_60 = arith.constant 0 : i32
    %dma_start3A_61 = tpu.memref_slice %arg2[%get3A_56, %dma_start3A_60] : memref<100000x128xf32, #tpu.memory_space<hbm>> -> memref<1x128xf32, #tpu.memory_space<hbm>>
    tpu.enqueue_dma source(%dma_start3A_61 : memref<1x128xf32, #tpu.memory_space<hbm>>) target(%dma_start3A_59 : memref<1x128xf32, #tpu.memory_space<hbm>>) target_semaphore(%arg5 : memref<!tpu.dma_semaphore, #tpu.memory_space<semaphore_mem>>)
    %get3A_62 = arith.constant 8 : i32
    %get3A_63 = arith.index_cast %get3A_62 : i32 to index
    %get3A_64 = memref.load %arg4[%get3A_63] : memref<20xi32, #tpu.memory_space<smem>>
    %dma_start3A_65 = arith.constant 8 : i32
    %dma_start3A_66 = arith.constant 0 : i32
    %dma_start3A_67 = tpu.memref_slice %arg3[%dma_start3A_65, %dma_start3A_66] : memref<20x128xf32, #tpu.memory_space<hbm>> -> memref<1x128xf32, #tpu.memory_space<hbm>>
    %dma_start3A_68 = arith.constant 0 : i32
    %dma_start3A_69 = tpu.memref_slice %arg2[%get3A_64, %dma_start3A_68] : memref<100000x128xf32, #tpu.memory_space<hbm>> -> memref<1x128xf32, #tpu.memory_space<hbm>>
    tpu.enqueue_dma source(%dma_start3A_69 : memref<1x128xf32, #tpu.memory_space<hbm>>) target(%dma_start3A_67 : memref<1x128xf32, #tpu.memory_space<hbm>>) target_semaphore(%arg5 : memref<!tpu.dma_semaphore, #tpu.memory_space<semaphore_mem>>)
    %get3A_70 = arith.constant 9 : i32
    %get3A_71 = arith.index_cast %get3A_70 : i32 to index
    %get3A_72 = memref.load %arg4[%get3A_71] : memref<20xi32, #tpu.memory_space<smem>>
    %dma_start3A_73 = arith.constant 9 : i32
    %dma_start3A_74 = arith.constant 0 : i32
    %dma_start3A_75 = tpu.memref_slice %arg3[%dma_start3A_73, %dma_start3A_74] : memref<20x128xf32, #tpu.memory_space<hbm>> -> memref<1x128xf32, #tpu.memory_space<hbm>>
    %dma_start3A_76 = arith.constant 0 : i32
    %dma_start3A_77 = tpu.memref_slice %arg2[%get3A_72, %dma_start3A_76] : memref<100000x128xf32, #tpu.memory_space<hbm>> -> memref<1x128xf32, #tpu.memory_space<hbm>>
    tpu.enqueue_dma source(%dma_start3A_77 : memref<1x128xf32, #tpu.memory_space<hbm>>) target(%dma_start3A_75 : memref<1x128xf32, #tpu.memory_space<hbm>>) target_semaphore(%arg5 : memref<!tpu.dma_semaphore, #tpu.memory_space<semaphore_mem>>)
    %get3A_78 = arith.constant 10 : i32
    %get3A_79 = arith.index_cast %get3A_78 : i32 to index
    %get3A_80 = memref.load %arg4[%get3A_79] : memref<20xi32, #tpu.memory_space<smem>>
    %dma_start3A_81 = arith.constant 10 : i32
    %dma_start3A_82 = arith.constant 0 : i32
    %dma_start3A_83 = tpu.memref_slice %arg3[%dma_start3A_81, %dma_start3A_82] : memref<20x128xf32, #tpu.memory_space<hbm>> -> memref<1x128xf32, #tpu.memory_space<hbm>>
    %dma_start3A_84 = arith.constant 0 : i32
    %dma_start3A_85 = tpu.memref_slice %arg2[%get3A_80, %dma_start3A_84] : memref<100000x128xf32, #tpu.memory_space<hbm>> -> memref<1x128xf32, #tpu.memory_space<hbm>>
    tpu.enqueue_dma source(%dma_start3A_85 : memref<1x128xf32, #tpu.memory_space<hbm>>) target(%dma_start3A_83 : memref<1x128xf32, #tpu.memory_space<hbm>>) target_semaphore(%arg5 : memref<!tpu.dma_semaphore, #tpu.memory_space<semaphore_mem>>)
    %get3A_86 = arith.constant 11 : i32
    %get3A_87 = arith.index_cast %get3A_86 : i32 to index
    %get3A_88 = memref.load %arg4[%get3A_87] : memref<20xi32, #tpu.memory_space<smem>>
    %dma_start3A_89 = arith.constant 11 : i32
    %dma_start3A_90 = arith.constant 0 : i32
    %dma_start3A_91 = tpu.memref_slice %arg3[%dma_start3A_89, %dma_start3A_90] : memref<20x128xf32, #tpu.memory_space<hbm>> -> memref<1x128xf32, #tpu.memory_space<hbm>>
    %dma_start3A_92 = arith.constant 0 : i32
    %dma_start3A_93 = tpu.memref_slice %arg2[%get3A_88, %dma_start3A_92] : memref<100000x128xf32, #tpu.memory_space<hbm>> -> memref<1x128xf32, #tpu.memory_space<hbm>>
    tpu.enqueue_dma source(%dma_start3A_93 : memref<1x128xf32, #tpu.memory_space<hbm>>) target(%dma_start3A_91 : memref<1x128xf32, #tpu.memory_space<hbm>>) target_semaphore(%arg5 : memref<!tpu.dma_semaphore, #tpu.memory_space<semaphore_mem>>)
    %get3A_94 = arith.constant 12 : i32
    %get3A_95 = arith.index_cast %get3A_94 : i32 to index
    %get3A_96 = memref.load %arg4[%get3A_95] : memref<20xi32, #tpu.memory_space<smem>>
    %dma_start3A_97 = arith.constant 12 : i32
    %dma_start3A_98 = arith.constant 0 : i32
    %dma_start3A_99 = tpu.memref_slice %arg3[%dma_start3A_97, %dma_start3A_98] : memref<20x128xf32, #tpu.memory_space<hbm>> -> memref<1x128xf32, #tpu.memory_space<hbm>>
    %dma_start3A_100 = arith.constant 0 : i32
    %dma_start3A_101 = tpu.memref_slice %arg2[%get3A_96, %dma_start3A_100] : memref<100000x128xf32, #tpu.memory_space<hbm>> -> memref<1x128xf32, #tpu.memory_space<hbm>>
    tpu.enqueue_dma source(%dma_start3A_101 : memref<1x128xf32, #tpu.memory_space<hbm>>) target(%dma_start3A_99 : memref<1x128xf32, #tpu.memory_space<hbm>>) target_semaphore(%arg5 : memref<!tpu.dma_semaphore, #tpu.memory_space<semaphore_mem>>)
    %get3A_102 = arith.constant 13 : i32
    %get3A_103 = arith.index_cast %get3A_102 : i32 to index
    %get3A_104 = memref.load %arg4[%get3A_103] : memref<20xi32, #tpu.memory_space<smem>>
    %dma_start3A_105 = arith.constant 13 : i32
    %dma_start3A_106 = arith.constant 0 : i32
    %dma_start3A_107 = tpu.memref_slice %arg3[%dma_start3A_105, %dma_start3A_106] : memref<20x128xf32, #tpu.memory_space<hbm>> -> memref<1x128xf32, #tpu.memory_space<hbm>>
    %dma_start3A_108 = arith.constant 0 : i32
    %dma_start3A_109 = tpu.memref_slice %arg2[%get3A_104, %dma_start3A_108] : memref<100000x128xf32, #tpu.memory_space<hbm>> -> memref<1x128xf32, #tpu.memory_space<hbm>>
    tpu.enqueue_dma source(%dma_start3A_109 : memref<1x128xf32, #tpu.memory_space<hbm>>) target(%dma_start3A_107 : memref<1x128xf32, #tpu.memory_space<hbm>>) target_semaphore(%arg5 : memref<!tpu.dma_semaphore, #tpu.memory_space<semaphore_mem>>)
    %get3A_110 = arith.constant 14 : i32
    %get3A_111 = arith.index_cast %get3A_110 : i32 to index
    %get3A_112 = memref.load %arg4[%get3A_111] : memref<20xi32, #tpu.memory_space<smem>>
    %dma_start3A_113 = arith.constant 14 : i32
    %dma_start3A_114 = arith.constant 0 : i32
    %dma_start3A_115 = tpu.memref_slice %arg3[%dma_start3A_113, %dma_start3A_114] : memref<20x128xf32, #tpu.memory_space<hbm>> -> memref<1x128xf32, #tpu.memory_space<hbm>>
    %dma_start3A_116 = arith.constant 0 : i32
    %dma_start3A_117 = tpu.memref_slice %arg2[%get3A_112, %dma_start3A_116] : memref<100000x128xf32, #tpu.memory_space<hbm>> -> memref<1x128xf32, #tpu.memory_space<hbm>>
    tpu.enqueue_dma source(%dma_start3A_117 : memref<1x128xf32, #tpu.memory_space<hbm>>) target(%dma_start3A_115 : memref<1x128xf32, #tpu.memory_space<hbm>>) target_semaphore(%arg5 : memref<!tpu.dma_semaphore, #tpu.memory_space<semaphore_mem>>)
    %get3A_118 = arith.constant 15 : i32
    %get3A_119 = arith.index_cast %get3A_118 : i32 to index
    %get3A_120 = memref.load %arg4[%get3A_119] : memref<20xi32, #tpu.memory_space<smem>>
    %dma_start3A_121 = arith.constant 15 : i32
    %dma_start3A_122 = arith.constant 0 : i32
    %dma_start3A_123 = tpu.memref_slice %arg3[%dma_start3A_121, %dma_start3A_122] : memref<20x128xf32, #tpu.memory_space<hbm>> -> memref<1x128xf32, #tpu.memory_space<hbm>>
    %dma_start3A_124 = arith.constant 0 : i32
    %dma_start3A_125 = tpu.memref_slice %arg2[%get3A_120, %dma_start3A_124] : memref<100000x128xf32, #tpu.memory_space<hbm>> -> memref<1x128xf32, #tpu.memory_space<hbm>>
    tpu.enqueue_dma source(%dma_start3A_125 : memref<1x128xf32, #tpu.memory_space<hbm>>) target(%dma_start3A_123 : memref<1x128xf32, #tpu.memory_space<hbm>>) target_semaphore(%arg5 : memref<!tpu.dma_semaphore, #tpu.memory_space<semaphore_mem>>)
    %get3A_126 = arith.constant 16 : i32
    %get3A_127 = arith.index_cast %get3A_126 : i32 to index
    %get3A_128 = memref.load %arg4[%get3A_127] : memref<20xi32, #tpu.memory_space<smem>>
    %dma_start3A_129 = arith.constant 16 : i32
    %dma_start3A_130 = arith.constant 0 : i32
    %dma_start3A_131 = tpu.memref_slice %arg3[%dma_start3A_129, %dma_start3A_130] : memref<20x128xf32, #tpu.memory_space<hbm>> -> memref<1x128xf32, #tpu.memory_space<hbm>>
    %dma_start3A_132 = arith.constant 0 : i32
    %dma_start3A_133 = tpu.memref_slice %arg2[%get3A_128, %dma_start3A_132] : memref<100000x128xf32, #tpu.memory_space<hbm>> -> memref<1x128xf32, #tpu.memory_space<hbm>>
    tpu.enqueue_dma source(%dma_start3A_133 : memref<1x128xf32, #tpu.memory_space<hbm>>) target(%dma_start3A_131 : memref<1x128xf32, #tpu.memory_space<hbm>>) target_semaphore(%arg5 : memref<!tpu.dma_semaphore, #tpu.memory_space<semaphore_mem>>)
    %get3A_134 = arith.constant 17 : i32
    %get3A_135 = arith.index_cast %get3A_134 : i32 to index
    %get3A_136 = memref.load %arg4[%get3A_135] : memref<20xi32, #tpu.memory_space<smem>>
    %dma_start3A_137 = arith.constant 17 : i32
    %dma_start3A_138 = arith.constant 0 : i32
    %dma_start3A_139 = tpu.memref_slice %arg3[%dma_start3A_137, %dma_start3A_138] : memref<20x128xf32, #tpu.memory_space<hbm>> -> memref<1x128xf32, #tpu.memory_space<hbm>>
    %dma_start3A_140 = arith.constant 0 : i32
    %dma_start3A_141 = tpu.memref_slice %arg2[%get3A_136, %dma_start3A_140] : memref<100000x128xf32, #tpu.memory_space<hbm>> -> memref<1x128xf32, #tpu.memory_space<hbm>>
    tpu.enqueue_dma source(%dma_start3A_141 : memref<1x128xf32, #tpu.memory_space<hbm>>) target(%dma_start3A_139 : memref<1x128xf32, #tpu.memory_space<hbm>>) target_semaphore(%arg5 : memref<!tpu.dma_semaphore, #tpu.memory_space<semaphore_mem>>)
    %get3A_142 = arith.constant 18 : i32
    %get3A_143 = arith.index_cast %get3A_142 : i32 to index
    %get3A_144 = memref.load %arg4[%get3A_143] : memref<20xi32, #tpu.memory_space<smem>>
    %dma_start3A_145 = arith.constant 18 : i32
    %dma_start3A_146 = arith.constant 0 : i32
    %dma_start3A_147 = tpu.memref_slice %arg3[%dma_start3A_145, %dma_start3A_146] : memref<20x128xf32, #tpu.memory_space<hbm>> -> memref<1x128xf32, #tpu.memory_space<hbm>>
    %dma_start3A_148 = arith.constant 0 : i32
    %dma_start3A_149 = tpu.memref_slice %arg2[%get3A_144, %dma_start3A_148] : memref<100000x128xf32, #tpu.memory_space<hbm>> -> memref<1x128xf32, #tpu.memory_space<hbm>>
    tpu.enqueue_dma source(%dma_start3A_149 : memref<1x128xf32, #tpu.memory_space<hbm>>) target(%dma_start3A_147 : memref<1x128xf32, #tpu.memory_space<hbm>>) target_semaphore(%arg5 : memref<!tpu.dma_semaphore, #tpu.memory_space<semaphore_mem>>)
    %get3A_150 = arith.constant 19 : i32
    %get3A_151 = arith.index_cast %get3A_150 : i32 to index
    %get3A_152 = memref.load %arg4[%get3A_151] : memref<20xi32, #tpu.memory_space<smem>>
    %dma_start3A_153 = arith.constant 19 : i32
    %dma_start3A_154 = arith.constant 0 : i32
    %dma_start3A_155 = tpu.memref_slice %arg3[%dma_start3A_153, %dma_start3A_154] : memref<20x128xf32, #tpu.memory_space<hbm>> -> memref<1x128xf32, #tpu.memory_space<hbm>>
    %dma_start3A_156 = arith.constant 0 : i32
    %dma_start3A_157 = tpu.memref_slice %arg2[%get3A_152, %dma_start3A_156] : memref<100000x128xf32, #tpu.memory_space<hbm>> -> memref<1x128xf32, #tpu.memory_space<hbm>>
    tpu.enqueue_dma source(%dma_start3A_157 : memref<1x128xf32, #tpu.memory_space<hbm>>) target(%dma_start3A_155 : memref<1x128xf32, #tpu.memory_space<hbm>>) target_semaphore(%arg5 : memref<!tpu.dma_semaphore, #tpu.memory_space<semaphore_mem>>)
    %dma_wait3A = arith.constant 0 : i32
    %dma_wait3A_158 = arith.constant 0 : i32
    %dma_wait3A_159 = tpu.memref_slice %arg3[%dma_wait3A, %dma_wait3A_158] : memref<20x128xf32, #tpu.memory_space<hbm>> -> memref<1x128xf32, #tpu.memory_space<hbm>>
    %dma_wait3A_160 = arith.constant 0 : i32
    %dma_wait3A_161 = tpu.memref_slice %arg2[%get3A_1, %dma_wait3A_160] : memref<100000x128xf32, #tpu.memory_space<hbm>> -> memref<1x128xf32, #tpu.memory_space<hbm>>
    tpu.wait_dma2 semaphore(%arg5 : memref<!tpu.dma_semaphore, #tpu.memory_space<semaphore_mem>>) src(%dma_wait3A_161 : memref<1x128xf32, #tpu.memory_space<hbm>>) dst(%dma_wait3A_159 : memref<1x128xf32, #tpu.memory_space<hbm>>)
    %dma_wait3A_162 = arith.constant 1 : i32
    %dma_wait3A_163 = arith.constant 0 : i32
    %dma_wait3A_164 = tpu.memref_slice %arg3[%dma_wait3A_162, %dma_wait3A_163] : memref<20x128xf32, #tpu.memory_space<hbm>> -> memref<1x128xf32, #tpu.memory_space<hbm>>
    %dma_wait3A_165 = arith.constant 0 : i32
    %dma_wait3A_166 = tpu.memref_slice %arg2[%get3A_8, %dma_wait3A_165] : memref<100000x128xf32, #tpu.memory_space<hbm>> -> memref<1x128xf32, #tpu.memory_space<hbm>>
    tpu.wait_dma2 semaphore(%arg5 : memref<!tpu.dma_semaphore, #tpu.memory_space<semaphore_mem>>) src(%dma_wait3A_166 : memref<1x128xf32, #tpu.memory_space<hbm>>) dst(%dma_wait3A_164 : memref<1x128xf32, #tpu.memory_space<hbm>>)
    %dma_wait3A_167 = arith.constant 2 : i32
    %dma_wait3A_168 = arith.constant 0 : i32
    %dma_wait3A_169 = tpu.memref_slice %arg3[%dma_wait3A_167, %dma_wait3A_168] : memref<20x128xf32, #tpu.memory_space<hbm>> -> memref<1x128xf32, #tpu.memory_space<hbm>>
    %dma_wait3A_170 = arith.constant 0 : i32
    %dma_wait3A_171 = tpu.memref_slice %arg2[%get3A_16, %dma_wait3A_170] : memref<100000x128xf32, #tpu.memory_space<hbm>> -> memref<1x128xf32, #tpu.memory_space<hbm>>
    tpu.wait_dma2 semaphore(%arg5 : memref<!tpu.dma_semaphore, #tpu.memory_space<semaphore_mem>>) src(%dma_wait3A_171 : memref<1x128xf32, #tpu.memory_space<hbm>>) dst(%dma_wait3A_169 : memref<1x128xf32, #tpu.memory_space<hbm>>)
    %dma_wait3A_172 = arith.constant 3 : i32
    %dma_wait3A_173 = arith.constant 0 : i32
    %dma_wait3A_174 = tpu.memref_slice %arg3[%dma_wait3A_172, %dma_wait3A_173] : memref<20x128xf32, #tpu.memory_space<hbm>> -> memref<1x128xf32, #tpu.memory_space<hbm>>
    %dma_wait3A_175 = arith.constant 0 : i32
    %dma_wait3A_176 = tpu.memref_slice %arg2[%get3A_24, %dma_wait3A_175] : memref<100000x128xf32, #tpu.memory_space<hbm>> -> memref<1x128xf32, #tpu.memory_space<hbm>>
    tpu.wait_dma2 semaphore(%arg5 : memref<!tpu.dma_semaphore, #tpu.memory_space<semaphore_mem>>) src(%dma_wait3A_176 : memref<1x128xf32, #tpu.memory_space<hbm>>) dst(%dma_wait3A_174 : memref<1x128xf32, #tpu.memory_space<hbm>>)
    %dma_wait3A_177 = arith.constant 4 : i32
    %dma_wait3A_178 = arith.constant 0 : i32
    %dma_wait3A_179 = tpu.memref_slice %arg3[%dma_wait3A_177, %dma_wait3A_178] : memref<20x128xf32, #tpu.memory_space<hbm>> -> memref<1x128xf32, #tpu.memory_space<hbm>>
    %dma_wait3A_180 = arith.constant 0 : i32
    %dma_wait3A_181 = tpu.memref_slice %arg2[%get3A_32, %dma_wait3A_180] : memref<100000x128xf32, #tpu.memory_space<hbm>> -> memref<1x128xf32, #tpu.memory_space<hbm>>
    tpu.wait_dma2 semaphore(%arg5 : memref<!tpu.dma_semaphore, #tpu.memory_space<semaphore_mem>>) src(%dma_wait3A_181 : memref<1x128xf32, #tpu.memory_space<hbm>>) dst(%dma_wait3A_179 : memref<1x128xf32, #tpu.memory_space<hbm>>)
    %dma_wait3A_182 = arith.constant 5 : i32
    %dma_wait3A_183 = arith.constant 0 : i32
    %dma_wait3A_184 = tpu.memref_slice %arg3[%dma_wait3A_182, %dma_wait3A_183] : memref<20x128xf32, #tpu.memory_space<hbm>> -> memref<1x128xf32, #tpu.memory_space<hbm>>
    %dma_wait3A_185 = arith.constant 0 : i32
    %dma_wait3A_186 = tpu.memref_slice %arg2[%get3A_40, %dma_wait3A_185] : memref<100000x128xf32, #tpu.memory_space<hbm>> -> memref<1x128xf32, #tpu.memory_space<hbm>>
    tpu.wait_dma2 semaphore(%arg5 : memref<!tpu.dma_semaphore, #tpu.memory_space<semaphore_mem>>) src(%dma_wait3A_186 : memref<1x128xf32, #tpu.memory_space<hbm>>) dst(%dma_wait3A_184 : memref<1x128xf32, #tpu.memory_space<hbm>>)
    %dma_wait3A_187 = arith.constant 6 : i32
    %dma_wait3A_188 = arith.constant 0 : i32
    %dma_wait3A_189 = tpu.memref_slice %arg3[%dma_wait3A_187, %dma_wait3A_188] : memref<20x128xf32, #tpu.memory_space<hbm>> -> memref<1x128xf32, #tpu.memory_space<hbm>>
    %dma_wait3A_190 = arith.constant 0 : i32
    %dma_wait3A_191 = tpu.memref_slice %arg2[%get3A_48, %dma_wait3A_190] : memref<100000x128xf32, #tpu.memory_space<hbm>> -> memref<1x128xf32, #tpu.memory_space<hbm>>
    tpu.wait_dma2 semaphore(%arg5 : memref<!tpu.dma_semaphore, #tpu.memory_space<semaphore_mem>>) src(%dma_wait3A_191 : memref<1x128xf32, #tpu.memory_space<hbm>>) dst(%dma_wait3A_189 : memref<1x128xf32, #tpu.memory_space<hbm>>)
    %dma_wait3A_192 = arith.constant 7 : i32
    %dma_wait3A_193 = arith.constant 0 : i32
    %dma_wait3A_194 = tpu.memref_slice %arg3[%dma_wait3A_192, %dma_wait3A_193] : memref<20x128xf32, #tpu.memory_space<hbm>> -> memref<1x128xf32, #tpu.memory_space<hbm>>
    %dma_wait3A_195 = arith.constant 0 : i32
    %dma_wait3A_196 = tpu.memref_slice %arg2[%get3A_56, %dma_wait3A_195] : memref<100000x128xf32, #tpu.memory_space<hbm>> -> memref<1x128xf32, #tpu.memory_space<hbm>>
    tpu.wait_dma2 semaphore(%arg5 : memref<!tpu.dma_semaphore, #tpu.memory_space<semaphore_mem>>) src(%dma_wait3A_196 : memref<1x128xf32, #tpu.memory_space<hbm>>) dst(%dma_wait3A_194 : memref<1x128xf32, #tpu.memory_space<hbm>>)
    %dma_wait3A_197 = arith.constant 8 : i32
    %dma_wait3A_198 = arith.constant 0 : i32
    %dma_wait3A_199 = tpu.memref_slice %arg3[%dma_wait3A_197, %dma_wait3A_198] : memref<20x128xf32, #tpu.memory_space<hbm>> -> memref<1x128xf32, #tpu.memory_space<hbm>>
    %dma_wait3A_200 = arith.constant 0 : i32
    %dma_wait3A_201 = tpu.memref_slice %arg2[%get3A_64, %dma_wait3A_200] : memref<100000x128xf32, #tpu.memory_space<hbm>> -> memref<1x128xf32, #tpu.memory_space<hbm>>
    tpu.wait_dma2 semaphore(%arg5 : memref<!tpu.dma_semaphore, #tpu.memory_space<semaphore_mem>>) src(%dma_wait3A_201 : memref<1x128xf32, #tpu.memory_space<hbm>>) dst(%dma_wait3A_199 : memref<1x128xf32, #tpu.memory_space<hbm>>)
    %dma_wait3A_202 = arith.constant 9 : i32
    %dma_wait3A_203 = arith.constant 0 : i32
    %dma_wait3A_204 = tpu.memref_slice %arg3[%dma_wait3A_202, %dma_wait3A_203] : memref<20x128xf32, #tpu.memory_space<hbm>> -> memref<1x128xf32, #tpu.memory_space<hbm>>
    %dma_wait3A_205 = arith.constant 0 : i32
    %dma_wait3A_206 = tpu.memref_slice %arg2[%get3A_72, %dma_wait3A_205] : memref<100000x128xf32, #tpu.memory_space<hbm>> -> memref<1x128xf32, #tpu.memory_space<hbm>>
    tpu.wait_dma2 semaphore(%arg5 : memref<!tpu.dma_semaphore, #tpu.memory_space<semaphore_mem>>) src(%dma_wait3A_206 : memref<1x128xf32, #tpu.memory_space<hbm>>) dst(%dma_wait3A_204 : memref<1x128xf32, #tpu.memory_space<hbm>>)
    %dma_wait3A_207 = arith.constant 10 : i32
    %dma_wait3A_208 = arith.constant 0 : i32
    %dma_wait3A_209 = tpu.memref_slice %arg3[%dma_wait3A_207, %dma_wait3A_208] : memref<20x128xf32, #tpu.memory_space<hbm>> -> memref<1x128xf32, #tpu.memory_space<hbm>>
    %dma_wait3A_210 = arith.constant 0 : i32
    %dma_wait3A_211 = tpu.memref_slice %arg2[%get3A_80, %dma_wait3A_210] : memref<100000x128xf32, #tpu.memory_space<hbm>> -> memref<1x128xf32, #tpu.memory_space<hbm>>
    tpu.wait_dma2 semaphore(%arg5 : memref<!tpu.dma_semaphore, #tpu.memory_space<semaphore_mem>>) src(%dma_wait3A_211 : memref<1x128xf32, #tpu.memory_space<hbm>>) dst(%dma_wait3A_209 : memref<1x128xf32, #tpu.memory_space<hbm>>)
    %dma_wait3A_212 = arith.constant 11 : i32
    %dma_wait3A_213 = arith.constant 0 : i32
    %dma_wait3A_214 = tpu.memref_slice %arg3[%dma_wait3A_212, %dma_wait3A_213] : memref<20x128xf32, #tpu.memory_space<hbm>> -> memref<1x128xf32, #tpu.memory_space<hbm>>
    %dma_wait3A_215 = arith.constant 0 : i32
    %dma_wait3A_216 = tpu.memref_slice %arg2[%get3A_88, %dma_wait3A_215] : memref<100000x128xf32, #tpu.memory_space<hbm>> -> memref<1x128xf32, #tpu.memory_space<hbm>>
    tpu.wait_dma2 semaphore(%arg5 : memref<!tpu.dma_semaphore, #tpu.memory_space<semaphore_mem>>) src(%dma_wait3A_216 : memref<1x128xf32, #tpu.memory_space<hbm>>) dst(%dma_wait3A_214 : memref<1x128xf32, #tpu.memory_space<hbm>>)
    %dma_wait3A_217 = arith.constant 12 : i32
    %dma_wait3A_218 = arith.constant 0 : i32
    %dma_wait3A_219 = tpu.memref_slice %arg3[%dma_wait3A_217, %dma_wait3A_218] : memref<20x128xf32, #tpu.memory_space<hbm>> -> memref<1x128xf32, #tpu.memory_space<hbm>>
    %dma_wait3A_220 = arith.constant 0 : i32
    %dma_wait3A_221 = tpu.memref_slice %arg2[%get3A_96, %dma_wait3A_220] : memref<100000x128xf32, #tpu.memory_space<hbm>> -> memref<1x128xf32, #tpu.memory_space<hbm>>
    tpu.wait_dma2 semaphore(%arg5 : memref<!tpu.dma_semaphore, #tpu.memory_space<semaphore_mem>>) src(%dma_wait3A_221 : memref<1x128xf32, #tpu.memory_space<hbm>>) dst(%dma_wait3A_219 : memref<1x128xf32, #tpu.memory_space<hbm>>)
    %dma_wait3A_222 = arith.constant 13 : i32
    %dma_wait3A_223 = arith.constant 0 : i32
    %dma_wait3A_224 = tpu.memref_slice %arg3[%dma_wait3A_222, %dma_wait3A_223] : memref<20x128xf32, #tpu.memory_space<hbm>> -> memref<1x128xf32, #tpu.memory_space<hbm>>
    %dma_wait3A_225 = arith.constant 0 : i32
    %dma_wait3A_226 = tpu.memref_slice %arg2[%get3A_104, %dma_wait3A_225] : memref<100000x128xf32, #tpu.memory_space<hbm>> -> memref<1x128xf32, #tpu.memory_space<hbm>>
    tpu.wait_dma2 semaphore(%arg5 : memref<!tpu.dma_semaphore, #tpu.memory_space<semaphore_mem>>) src(%dma_wait3A_226 : memref<1x128xf32, #tpu.memory_space<hbm>>) dst(%dma_wait3A_224 : memref<1x128xf32, #tpu.memory_space<hbm>>)
    %dma_wait3A_227 = arith.constant 14 : i32
    %dma_wait3A_228 = arith.constant 0 : i32
    %dma_wait3A_229 = tpu.memref_slice %arg3[%dma_wait3A_227, %dma_wait3A_228] : memref<20x128xf32, #tpu.memory_space<hbm>> -> memref<1x128xf32, #tpu.memory_space<hbm>>
    %dma_wait3A_230 = arith.constant 0 : i32
    %dma_wait3A_231 = tpu.memref_slice %arg2[%get3A_112, %dma_wait3A_230] : memref<100000x128xf32, #tpu.memory_space<hbm>> -> memref<1x128xf32, #tpu.memory_space<hbm>>
    tpu.wait_dma2 semaphore(%arg5 : memref<!tpu.dma_semaphore, #tpu.memory_space<semaphore_mem>>) src(%dma_wait3A_231 : memref<1x128xf32, #tpu.memory_space<hbm>>) dst(%dma_wait3A_229 : memref<1x128xf32, #tpu.memory_space<hbm>>)
    %dma_wait3A_232 = arith.constant 15 : i32
    %dma_wait3A_233 = arith.constant 0 : i32
    %dma_wait3A_234 = tpu.memref_slice %arg3[%dma_wait3A_232, %dma_wait3A_233] : memref<20x128xf32, #tpu.memory_space<hbm>> -> memref<1x128xf32, #tpu.memory_space<hbm>>
    %dma_wait3A_235 = arith.constant 0 : i32
    %dma_wait3A_236 = tpu.memref_slice %arg2[%get3A_120, %dma_wait3A_235] : memref<100000x128xf32, #tpu.memory_space<hbm>> -> memref<1x128xf32, #tpu.memory_space<hbm>>
    tpu.wait_dma2 semaphore(%arg5 : memref<!tpu.dma_semaphore, #tpu.memory_space<semaphore_mem>>) src(%dma_wait3A_236 : memref<1x128xf32, #tpu.memory_space<hbm>>) dst(%dma_wait3A_234 : memref<1x128xf32, #tpu.memory_space<hbm>>)
    %dma_wait3A_237 = arith.constant 16 : i32
    %dma_wait3A_238 = arith.constant 0 : i32
    %dma_wait3A_239 = tpu.memref_slice %arg3[%dma_wait3A_237, %dma_wait3A_238] : memref<20x128xf32, #tpu.memory_space<hbm>> -> memref<1x128xf32, #tpu.memory_space<hbm>>
    %dma_wait3A_240 = arith.constant 0 : i32
    %dma_wait3A_241 = tpu.memref_slice %arg2[%get3A_128, %dma_wait3A_240] : memref<100000x128xf32, #tpu.memory_space<hbm>> -> memref<1x128xf32, #tpu.memory_space<hbm>>
    tpu.wait_dma2 semaphore(%arg5 : memref<!tpu.dma_semaphore, #tpu.memory_space<semaphore_mem>>) src(%dma_wait3A_241 : memref<1x128xf32, #tpu.memory_space<hbm>>) dst(%dma_wait3A_239 : memref<1x128xf32, #tpu.memory_space<hbm>>)
    %dma_wait3A_242 = arith.constant 17 : i32
    %dma_wait3A_243 = arith.constant 0 : i32
    %dma_wait3A_244 = tpu.memref_slice %arg3[%dma_wait3A_242, %dma_wait3A_243] : memref<20x128xf32, #tpu.memory_space<hbm>> -> memref<1x128xf32, #tpu.memory_space<hbm>>
    %dma_wait3A_245 = arith.constant 0 : i32
    %dma_wait3A_246 = tpu.memref_slice %arg2[%get3A_136, %dma_wait3A_245] : memref<100000x128xf32, #tpu.memory_space<hbm>> -> memref<1x128xf32, #tpu.memory_space<hbm>>
    tpu.wait_dma2 semaphore(%arg5 : memref<!tpu.dma_semaphore, #tpu.memory_space<semaphore_mem>>) src(%dma_wait3A_246 : memref<1x128xf32, #tpu.memory_space<hbm>>) dst(%dma_wait3A_244 : memref<1x128xf32, #tpu.memory_space<hbm>>)
    %dma_wait3A_247 = arith.constant 18 : i32
    %dma_wait3A_248 = arith.constant 0 : i32
    %dma_wait3A_249 = tpu.memref_slice %arg3[%dma_wait3A_247, %dma_wait3A_248] : memref<20x128xf32, #tpu.memory_space<hbm>> -> memref<1x128xf32, #tpu.memory_space<hbm>>
    %dma_wait3A_250 = arith.constant 0 : i32
    %dma_wait3A_251 = tpu.memref_slice %arg2[%get3A_144, %dma_wait3A_250] : memref<100000x128xf32, #tpu.memory_space<hbm>> -> memref<1x128xf32, #tpu.memory_space<hbm>>
    tpu.wait_dma2 semaphore(%arg5 : memref<!tpu.dma_semaphore, #tpu.memory_space<semaphore_mem>>) src(%dma_wait3A_251 : memref<1x128xf32, #tpu.memory_space<hbm>>) dst(%dma_wait3A_249 : memref<1x128xf32, #tpu.memory_space<hbm>>)
    %dma_wait3A_252 = arith.constant 19 : i32
    %dma_wait3A_253 = arith.constant 0 : i32
    %dma_wait3A_254 = tpu.memref_slice %arg3[%dma_wait3A_252, %dma_wait3A_253] : memref<20x128xf32, #tpu.memory_space<hbm>> -> memref<1x128xf32, #tpu.memory_space<hbm>>
    %dma_wait3A_255 = arith.constant 0 : i32
    %dma_wait3A_256 = tpu.memref_slice %arg2[%get3A_152, %dma_wait3A_255] : memref<100000x128xf32, #tpu.memory_space<hbm>> -> memref<1x128xf32, #tpu.memory_space<hbm>>
    tpu.wait_dma2 semaphore(%arg5 : memref<!tpu.dma_semaphore, #tpu.memory_space<semaphore_mem>>) src(%dma_wait3A_256 : memref<1x128xf32, #tpu.memory_space<hbm>>) dst(%dma_wait3A_254 : memref<1x128xf32, #tpu.memory_space<hbm>>)
    return
  }
}

module attributes {stable_mosaic.version = 14 : i64} {
  func.func @body(%arg0: i32, %arg1: memref<20x128xf32, #tpu.memory_space<vmem>>, %arg2: memref<128x2560xf32, #tpu.memory_space<vmem>>, %arg3: memref<1x128xf32, #tpu.memory_space<vmem>>, %arg4: memref<1x5000x128xf32, #tpu.memory_space<vmem>>, %arg5: memref<1x1x5000xf32, #tpu.memory_space<vmem>>, %arg6: memref<1x5000x128xf32, #tpu.memory_space<vmem>>, %arg7: memref<1x1x5000xf32, #tpu.memory_space<vmem>>, %arg8: memref<1x5000x128xf32, #tpu.memory_space<vmem>>, %arg9: memref<1x1x5000xf32, #tpu.memory_space<vmem>>, %arg10: memref<1x5000x128xf32, #tpu.memory_space<vmem>>, %arg11: memref<1x1x5000xf32, #tpu.memory_space<vmem>>, %arg12: memref<20x1x5000xf32, #tpu.memory_space<vmem>>, %arg13: memref<1x128xf32, #tpu.memory_space<vmem>>, %arg14: memref<1x1xf32, #tpu.memory_space<vmem>>, %arg15: memref<1x1xf32, #tpu.memory_space<vmem>>) attributes {dimension_semantics = [#tpu.dimension_semantics<arbitrary>], iteration_bounds = array<i64: 5>, scalar_prefetch = 0 : i64, scratch_operands = 3 : i64, tpu.core_type = #tpu.core_type<tc>, window_params = [{pipeline_mode = #tpu.pipeline_mode<synchronous>, transform_indices = @transform_0, window_bounds = array<i64: 20, 128>}, {pipeline_mode = #tpu.pipeline_mode<synchronous>, transform_indices = @transform_1, window_bounds = array<i64: 128, 2560>}, {pipeline_mode = #tpu.pipeline_mode<synchronous>, transform_indices = @transform_2, window_bounds = array<i64: 1, 128>}, {transform_indices = @transform_3, window_bounds = array<i64: 1, 5000, 128>}, {transform_indices = @transform_4, window_bounds = array<i64: 1, 1, 5000>}, {transform_indices = @transform_5, window_bounds = array<i64: 1, 5000, 128>}, {transform_indices = @transform_6, window_bounds = array<i64: 1, 1, 5000>}, {transform_indices = @transform_7, window_bounds = array<i64: 1, 5000, 128>}, {transform_indices = @transform_8, window_bounds = array<i64: 1, 1, 5000>}, {transform_indices = @transform_9, window_bounds = array<i64: 1, 5000, 128>}, {transform_indices = @transform_10, window_bounds = array<i64: 1, 1, 5000>}, {pipeline_mode = #tpu.pipeline_mode<synchronous>, transform_indices = @transform_11, window_bounds = array<i64: 20, 1, 5000>}]} {
    %eq3A = arith.constant 0 : i32
    %eq3A_0 = arith.cmpi eq, %arg0, %eq3A : i32
    %convert_element_type3A = arith.extui %eq3A_0 : i1 to i32
    %cond3A = arith.constant 0 : i32
    %cond3A_1 = arith.cmpi ne, %convert_element_type3A, %cond3A : i32
    scf.if %cond3A_1 {
      %broadcast_in_dim3A_145 = arith.constant 0.000000e+00 : f32
      %broadcast_in_dim3A_146 = vector.broadcast %broadcast_in_dim3A_145 : f32 to vector<1x128xf32>
      %get3A_147 = arith.constant 0 : index
      %get3A_148 = arith.constant 0 : index
      %get3A_149 = vector.load %arg1[%get3A_147, %get3A_148] : memref<20x128xf32, #tpu.memory_space<vmem>>, vector<1x128xf32>
      %get3A_150 = arith.constant 0 : index
      %get3A_151 = arith.constant 0 : index
      %get3A_152 = vector.load %arg2[%get3A_150, %get3A_151] : memref<128x2560xf32, #tpu.memory_space<vmem>>, vector<128x128xf32>
      %dot_general3A_153 = arith.constant dense<0.000000e+00> : vector<1x128xf32>
      %dot_general3A_154 = tpu.matmul %get3A_149, %get3A_152, %dot_general3A_153 {dimension_numbers = #tpu.dot_dimension_numbers<[1], [1], [0], [0], [0, 0, 1, 0], [], []>, transpose_lhs_hint = false} : vector<1x128xf32>, vector<128x128xf32>, vector<1x128xf32> -> vector<1x128xf32>
      %add3A_155 = arith.addf %broadcast_in_dim3A_146, %dot_general3A_154 : vector<1x128xf32>
      %get3A_156 = arith.constant 1 : index
      %get3A_157 = arith.constant 0 : index
      %get3A_158 = vector.load %arg1[%get3A_156, %get3A_157] : memref<20x128xf32, #tpu.memory_space<vmem>>, vector<1x128xf32>
      %get3A_159 = arith.constant 0 : index
      %get3A_160 = arith.constant 128 : index
      %get3A_161 = vector.load %arg2[%get3A_159, %get3A_160] : memref<128x2560xf32, #tpu.memory_space<vmem>>, vector<128x128xf32>
      %dot_general3A_162 = arith.constant dense<0.000000e+00> : vector<1x128xf32>
      %dot_general3A_163 = tpu.matmul %get3A_158, %get3A_161, %dot_general3A_162 {dimension_numbers = #tpu.dot_dimension_numbers<[1], [1], [0], [0], [0, 0, 1, 0], [], []>, transpose_lhs_hint = false} : vector<1x128xf32>, vector<128x128xf32>, vector<1x128xf32> -> vector<1x128xf32>
      %add3A_164 = arith.addf %add3A_155, %dot_general3A_163 : vector<1x128xf32>
      %get3A_165 = arith.constant 2 : index
      %get3A_166 = arith.constant 0 : index
      %get3A_167 = vector.load %arg1[%get3A_165, %get3A_166] : memref<20x128xf32, #tpu.memory_space<vmem>>, vector<1x128xf32>
      %get3A_168 = arith.constant 0 : index
      %get3A_169 = arith.constant 256 : index
      %get3A_170 = vector.load %arg2[%get3A_168, %get3A_169] : memref<128x2560xf32, #tpu.memory_space<vmem>>, vector<128x128xf32>
      %dot_general3A_171 = arith.constant dense<0.000000e+00> : vector<1x128xf32>
      %dot_general3A_172 = tpu.matmul %get3A_167, %get3A_170, %dot_general3A_171 {dimension_numbers = #tpu.dot_dimension_numbers<[1], [1], [0], [0], [0, 0, 1, 0], [], []>, transpose_lhs_hint = false} : vector<1x128xf32>, vector<128x128xf32>, vector<1x128xf32> -> vector<1x128xf32>
      %add3A_173 = arith.addf %add3A_164, %dot_general3A_172 : vector<1x128xf32>
      %get3A_174 = arith.constant 3 : index
      %get3A_175 = arith.constant 0 : index
      %get3A_176 = vector.load %arg1[%get3A_174, %get3A_175] : memref<20x128xf32, #tpu.memory_space<vmem>>, vector<1x128xf32>
      %get3A_177 = arith.constant 0 : index
      %get3A_178 = arith.constant 384 : index
      %get3A_179 = vector.load %arg2[%get3A_177, %get3A_178] : memref<128x2560xf32, #tpu.memory_space<vmem>>, vector<128x128xf32>
      %dot_general3A_180 = arith.constant dense<0.000000e+00> : vector<1x128xf32>
      %dot_general3A_181 = tpu.matmul %get3A_176, %get3A_179, %dot_general3A_180 {dimension_numbers = #tpu.dot_dimension_numbers<[1], [1], [0], [0], [0, 0, 1, 0], [], []>, transpose_lhs_hint = false} : vector<1x128xf32>, vector<128x128xf32>, vector<1x128xf32> -> vector<1x128xf32>
      %add3A_182 = arith.addf %add3A_173, %dot_general3A_181 : vector<1x128xf32>
      %get3A_183 = arith.constant 4 : index
      %get3A_184 = arith.constant 0 : index
      %get3A_185 = vector.load %arg1[%get3A_183, %get3A_184] : memref<20x128xf32, #tpu.memory_space<vmem>>, vector<1x128xf32>
      %get3A_186 = arith.constant 0 : index
      %get3A_187 = arith.constant 512 : index
      %get3A_188 = vector.load %arg2[%get3A_186, %get3A_187] : memref<128x2560xf32, #tpu.memory_space<vmem>>, vector<128x128xf32>
      %dot_general3A_189 = arith.constant dense<0.000000e+00> : vector<1x128xf32>
      %dot_general3A_190 = tpu.matmul %get3A_185, %get3A_188, %dot_general3A_189 {dimension_numbers = #tpu.dot_dimension_numbers<[1], [1], [0], [0], [0, 0, 1, 0], [], []>, transpose_lhs_hint = false} : vector<1x128xf32>, vector<128x128xf32>, vector<1x128xf32> -> vector<1x128xf32>
      %add3A_191 = arith.addf %add3A_182, %dot_general3A_190 : vector<1x128xf32>
      %get3A_192 = arith.constant 5 : index
      %get3A_193 = arith.constant 0 : index
      %get3A_194 = vector.load %arg1[%get3A_192, %get3A_193] : memref<20x128xf32, #tpu.memory_space<vmem>>, vector<1x128xf32>
      %get3A_195 = arith.constant 0 : index
      %get3A_196 = arith.constant 640 : index
      %get3A_197 = vector.load %arg2[%get3A_195, %get3A_196] : memref<128x2560xf32, #tpu.memory_space<vmem>>, vector<128x128xf32>
      %dot_general3A_198 = arith.constant dense<0.000000e+00> : vector<1x128xf32>
      %dot_general3A_199 = tpu.matmul %get3A_194, %get3A_197, %dot_general3A_198 {dimension_numbers = #tpu.dot_dimension_numbers<[1], [1], [0], [0], [0, 0, 1, 0], [], []>, transpose_lhs_hint = false} : vector<1x128xf32>, vector<128x128xf32>, vector<1x128xf32> -> vector<1x128xf32>
      %add3A_200 = arith.addf %add3A_191, %dot_general3A_199 : vector<1x128xf32>
      %get3A_201 = arith.constant 6 : index
      %get3A_202 = arith.constant 0 : index
      %get3A_203 = vector.load %arg1[%get3A_201, %get3A_202] : memref<20x128xf32, #tpu.memory_space<vmem>>, vector<1x128xf32>
      %get3A_204 = arith.constant 0 : index
      %get3A_205 = arith.constant 768 : index
      %get3A_206 = vector.load %arg2[%get3A_204, %get3A_205] : memref<128x2560xf32, #tpu.memory_space<vmem>>, vector<128x128xf32>
      %dot_general3A_207 = arith.constant dense<0.000000e+00> : vector<1x128xf32>
      %dot_general3A_208 = tpu.matmul %get3A_203, %get3A_206, %dot_general3A_207 {dimension_numbers = #tpu.dot_dimension_numbers<[1], [1], [0], [0], [0, 0, 1, 0], [], []>, transpose_lhs_hint = false} : vector<1x128xf32>, vector<128x128xf32>, vector<1x128xf32> -> vector<1x128xf32>
      %add3A_209 = arith.addf %add3A_200, %dot_general3A_208 : vector<1x128xf32>
      %get3A_210 = arith.constant 7 : index
      %get3A_211 = arith.constant 0 : index
      %get3A_212 = vector.load %arg1[%get3A_210, %get3A_211] : memref<20x128xf32, #tpu.memory_space<vmem>>, vector<1x128xf32>
      %get3A_213 = arith.constant 0 : index
      %get3A_214 = arith.constant 896 : index
      %get3A_215 = vector.load %arg2[%get3A_213, %get3A_214] : memref<128x2560xf32, #tpu.memory_space<vmem>>, vector<128x128xf32>
      %dot_general3A_216 = arith.constant dense<0.000000e+00> : vector<1x128xf32>
      %dot_general3A_217 = tpu.matmul %get3A_212, %get3A_215, %dot_general3A_216 {dimension_numbers = #tpu.dot_dimension_numbers<[1], [1], [0], [0], [0, 0, 1, 0], [], []>, transpose_lhs_hint = false} : vector<1x128xf32>, vector<128x128xf32>, vector<1x128xf32> -> vector<1x128xf32>
      %add3A_218 = arith.addf %add3A_209, %dot_general3A_217 : vector<1x128xf32>
      %get3A_219 = arith.constant 8 : index
      %get3A_220 = arith.constant 0 : index
      %get3A_221 = vector.load %arg1[%get3A_219, %get3A_220] : memref<20x128xf32, #tpu.memory_space<vmem>>, vector<1x128xf32>
      %get3A_222 = arith.constant 0 : index
      %get3A_223 = arith.constant 1024 : index
      %get3A_224 = vector.load %arg2[%get3A_222, %get3A_223] : memref<128x2560xf32, #tpu.memory_space<vmem>>, vector<128x128xf32>
      %dot_general3A_225 = arith.constant dense<0.000000e+00> : vector<1x128xf32>
      %dot_general3A_226 = tpu.matmul %get3A_221, %get3A_224, %dot_general3A_225 {dimension_numbers = #tpu.dot_dimension_numbers<[1], [1], [0], [0], [0, 0, 1, 0], [], []>, transpose_lhs_hint = false} : vector<1x128xf32>, vector<128x128xf32>, vector<1x128xf32> -> vector<1x128xf32>
      %add3A_227 = arith.addf %add3A_218, %dot_general3A_226 : vector<1x128xf32>
      %get3A_228 = arith.constant 9 : index
      %get3A_229 = arith.constant 0 : index
      %get3A_230 = vector.load %arg1[%get3A_228, %get3A_229] : memref<20x128xf32, #tpu.memory_space<vmem>>, vector<1x128xf32>
      %get3A_231 = arith.constant 0 : index
      %get3A_232 = arith.constant 1152 : index
      %get3A_233 = vector.load %arg2[%get3A_231, %get3A_232] : memref<128x2560xf32, #tpu.memory_space<vmem>>, vector<128x128xf32>
      %dot_general3A_234 = arith.constant dense<0.000000e+00> : vector<1x128xf32>
      %dot_general3A_235 = tpu.matmul %get3A_230, %get3A_233, %dot_general3A_234 {dimension_numbers = #tpu.dot_dimension_numbers<[1], [1], [0], [0], [0, 0, 1, 0], [], []>, transpose_lhs_hint = false} : vector<1x128xf32>, vector<128x128xf32>, vector<1x128xf32> -> vector<1x128xf32>
      %add3A_236 = arith.addf %add3A_227, %dot_general3A_235 : vector<1x128xf32>
      %get3A_237 = arith.constant 10 : index
      %get3A_238 = arith.constant 0 : index
      %get3A_239 = vector.load %arg1[%get3A_237, %get3A_238] : memref<20x128xf32, #tpu.memory_space<vmem>>, vector<1x128xf32>
      %get3A_240 = arith.constant 0 : index
      %get3A_241 = arith.constant 1280 : index
      %get3A_242 = vector.load %arg2[%get3A_240, %get3A_241] : memref<128x2560xf32, #tpu.memory_space<vmem>>, vector<128x128xf32>
      %dot_general3A_243 = arith.constant dense<0.000000e+00> : vector<1x128xf32>
      %dot_general3A_244 = tpu.matmul %get3A_239, %get3A_242, %dot_general3A_243 {dimension_numbers = #tpu.dot_dimension_numbers<[1], [1], [0], [0], [0, 0, 1, 0], [], []>, transpose_lhs_hint = false} : vector<1x128xf32>, vector<128x128xf32>, vector<1x128xf32> -> vector<1x128xf32>
      %add3A_245 = arith.addf %add3A_236, %dot_general3A_244 : vector<1x128xf32>
      %get3A_246 = arith.constant 11 : index
      %get3A_247 = arith.constant 0 : index
      %get3A_248 = vector.load %arg1[%get3A_246, %get3A_247] : memref<20x128xf32, #tpu.memory_space<vmem>>, vector<1x128xf32>
      %get3A_249 = arith.constant 0 : index
      %get3A_250 = arith.constant 1408 : index
      %get3A_251 = vector.load %arg2[%get3A_249, %get3A_250] : memref<128x2560xf32, #tpu.memory_space<vmem>>, vector<128x128xf32>
      %dot_general3A_252 = arith.constant dense<0.000000e+00> : vector<1x128xf32>
      %dot_general3A_253 = tpu.matmul %get3A_248, %get3A_251, %dot_general3A_252 {dimension_numbers = #tpu.dot_dimension_numbers<[1], [1], [0], [0], [0, 0, 1, 0], [], []>, transpose_lhs_hint = false} : vector<1x128xf32>, vector<128x128xf32>, vector<1x128xf32> -> vector<1x128xf32>
      %add3A_254 = arith.addf %add3A_245, %dot_general3A_253 : vector<1x128xf32>
      %get3A_255 = arith.constant 12 : index
      %get3A_256 = arith.constant 0 : index
      %get3A_257 = vector.load %arg1[%get3A_255, %get3A_256] : memref<20x128xf32, #tpu.memory_space<vmem>>, vector<1x128xf32>
      %get3A_258 = arith.constant 0 : index
      %get3A_259 = arith.constant 1536 : index
      %get3A_260 = vector.load %arg2[%get3A_258, %get3A_259] : memref<128x2560xf32, #tpu.memory_space<vmem>>, vector<128x128xf32>
      %dot_general3A_261 = arith.constant dense<0.000000e+00> : vector<1x128xf32>
      %dot_general3A_262 = tpu.matmul %get3A_257, %get3A_260, %dot_general3A_261 {dimension_numbers = #tpu.dot_dimension_numbers<[1], [1], [0], [0], [0, 0, 1, 0], [], []>, transpose_lhs_hint = false} : vector<1x128xf32>, vector<128x128xf32>, vector<1x128xf32> -> vector<1x128xf32>
      %add3A_263 = arith.addf %add3A_254, %dot_general3A_262 : vector<1x128xf32>
      %get3A_264 = arith.constant 13 : index
      %get3A_265 = arith.constant 0 : index
      %get3A_266 = vector.load %arg1[%get3A_264, %get3A_265] : memref<20x128xf32, #tpu.memory_space<vmem>>, vector<1x128xf32>
      %get3A_267 = arith.constant 0 : index
      %get3A_268 = arith.constant 1664 : index
      %get3A_269 = vector.load %arg2[%get3A_267, %get3A_268] : memref<128x2560xf32, #tpu.memory_space<vmem>>, vector<128x128xf32>
      %dot_general3A_270 = arith.constant dense<0.000000e+00> : vector<1x128xf32>
      %dot_general3A_271 = tpu.matmul %get3A_266, %get3A_269, %dot_general3A_270 {dimension_numbers = #tpu.dot_dimension_numbers<[1], [1], [0], [0], [0, 0, 1, 0], [], []>, transpose_lhs_hint = false} : vector<1x128xf32>, vector<128x128xf32>, vector<1x128xf32> -> vector<1x128xf32>
      %add3A_272 = arith.addf %add3A_263, %dot_general3A_271 : vector<1x128xf32>
      %get3A_273 = arith.constant 14 : index
      %get3A_274 = arith.constant 0 : index
      %get3A_275 = vector.load %arg1[%get3A_273, %get3A_274] : memref<20x128xf32, #tpu.memory_space<vmem>>, vector<1x128xf32>
      %get3A_276 = arith.constant 0 : index
      %get3A_277 = arith.constant 1792 : index
      %get3A_278 = vector.load %arg2[%get3A_276, %get3A_277] : memref<128x2560xf32, #tpu.memory_space<vmem>>, vector<128x128xf32>
      %dot_general3A_279 = arith.constant dense<0.000000e+00> : vector<1x128xf32>
      %dot_general3A_280 = tpu.matmul %get3A_275, %get3A_278, %dot_general3A_279 {dimension_numbers = #tpu.dot_dimension_numbers<[1], [1], [0], [0], [0, 0, 1, 0], [], []>, transpose_lhs_hint = false} : vector<1x128xf32>, vector<128x128xf32>, vector<1x128xf32> -> vector<1x128xf32>
      %add3A_281 = arith.addf %add3A_272, %dot_general3A_280 : vector<1x128xf32>
      %get3A_282 = arith.constant 15 : index
      %get3A_283 = arith.constant 0 : index
      %get3A_284 = vector.load %arg1[%get3A_282, %get3A_283] : memref<20x128xf32, #tpu.memory_space<vmem>>, vector<1x128xf32>
      %get3A_285 = arith.constant 0 : index
      %get3A_286 = arith.constant 1920 : index
      %get3A_287 = vector.load %arg2[%get3A_285, %get3A_286] : memref<128x2560xf32, #tpu.memory_space<vmem>>, vector<128x128xf32>
      %dot_general3A_288 = arith.constant dense<0.000000e+00> : vector<1x128xf32>
      %dot_general3A_289 = tpu.matmul %get3A_284, %get3A_287, %dot_general3A_288 {dimension_numbers = #tpu.dot_dimension_numbers<[1], [1], [0], [0], [0, 0, 1, 0], [], []>, transpose_lhs_hint = false} : vector<1x128xf32>, vector<128x128xf32>, vector<1x128xf32> -> vector<1x128xf32>
      %add3A_290 = arith.addf %add3A_281, %dot_general3A_289 : vector<1x128xf32>
      %get3A_291 = arith.constant 16 : index
      %get3A_292 = arith.constant 0 : index
      %get3A_293 = vector.load %arg1[%get3A_291, %get3A_292] : memref<20x128xf32, #tpu.memory_space<vmem>>, vector<1x128xf32>
      %get3A_294 = arith.constant 0 : index
      %get3A_295 = arith.constant 2048 : index
      %get3A_296 = vector.load %arg2[%get3A_294, %get3A_295] : memref<128x2560xf32, #tpu.memory_space<vmem>>, vector<128x128xf32>
      %dot_general3A_297 = arith.constant dense<0.000000e+00> : vector<1x128xf32>
      %dot_general3A_298 = tpu.matmul %get3A_293, %get3A_296, %dot_general3A_297 {dimension_numbers = #tpu.dot_dimension_numbers<[1], [1], [0], [0], [0, 0, 1, 0], [], []>, transpose_lhs_hint = false} : vector<1x128xf32>, vector<128x128xf32>, vector<1x128xf32> -> vector<1x128xf32>
      %add3A_299 = arith.addf %add3A_290, %dot_general3A_298 : vector<1x128xf32>
      %get3A_300 = arith.constant 17 : index
      %get3A_301 = arith.constant 0 : index
      %get3A_302 = vector.load %arg1[%get3A_300, %get3A_301] : memref<20x128xf32, #tpu.memory_space<vmem>>, vector<1x128xf32>
      %get3A_303 = arith.constant 0 : index
      %get3A_304 = arith.constant 2176 : index
      %get3A_305 = vector.load %arg2[%get3A_303, %get3A_304] : memref<128x2560xf32, #tpu.memory_space<vmem>>, vector<128x128xf32>
      %dot_general3A_306 = arith.constant dense<0.000000e+00> : vector<1x128xf32>
      %dot_general3A_307 = tpu.matmul %get3A_302, %get3A_305, %dot_general3A_306 {dimension_numbers = #tpu.dot_dimension_numbers<[1], [1], [0], [0], [0, 0, 1, 0], [], []>, transpose_lhs_hint = false} : vector<1x128xf32>, vector<128x128xf32>, vector<1x128xf32> -> vector<1x128xf32>
      %add3A_308 = arith.addf %add3A_299, %dot_general3A_307 : vector<1x128xf32>
      %get3A_309 = arith.constant 18 : index
      %get3A_310 = arith.constant 0 : index
      %get3A_311 = vector.load %arg1[%get3A_309, %get3A_310] : memref<20x128xf32, #tpu.memory_space<vmem>>, vector<1x128xf32>
      %get3A_312 = arith.constant 0 : index
      %get3A_313 = arith.constant 2304 : index
      %get3A_314 = vector.load %arg2[%get3A_312, %get3A_313] : memref<128x2560xf32, #tpu.memory_space<vmem>>, vector<128x128xf32>
      %dot_general3A_315 = arith.constant dense<0.000000e+00> : vector<1x128xf32>
      %dot_general3A_316 = tpu.matmul %get3A_311, %get3A_314, %dot_general3A_315 {dimension_numbers = #tpu.dot_dimension_numbers<[1], [1], [0], [0], [0, 0, 1, 0], [], []>, transpose_lhs_hint = false} : vector<1x128xf32>, vector<128x128xf32>, vector<1x128xf32> -> vector<1x128xf32>
      %add3A_317 = arith.addf %add3A_308, %dot_general3A_316 : vector<1x128xf32>
      %get3A_318 = arith.constant 19 : index
      %get3A_319 = arith.constant 0 : index
      %get3A_320 = vector.load %arg1[%get3A_318, %get3A_319] : memref<20x128xf32, #tpu.memory_space<vmem>>, vector<1x128xf32>
      %get3A_321 = arith.constant 0 : index
      %get3A_322 = arith.constant 2432 : index
      %get3A_323 = vector.load %arg2[%get3A_321, %get3A_322] : memref<128x2560xf32, #tpu.memory_space<vmem>>, vector<128x128xf32>
      %dot_general3A_324 = arith.constant dense<0.000000e+00> : vector<1x128xf32>
      %dot_general3A_325 = tpu.matmul %get3A_320, %get3A_323, %dot_general3A_324 {dimension_numbers = #tpu.dot_dimension_numbers<[1], [1], [0], [0], [0, 0, 1, 0], [], []>, transpose_lhs_hint = false} : vector<1x128xf32>, vector<128x128xf32>, vector<1x128xf32> -> vector<1x128xf32>
      %add3A_326 = arith.addf %add3A_317, %dot_general3A_325 : vector<1x128xf32>
      %get3A_327 = arith.constant 0 : index
      %get3A_328 = arith.constant 0 : index
      %get3A_329 = vector.load %arg3[%get3A_327, %get3A_328] : memref<1x128xf32, #tpu.memory_space<vmem>>, vector<1x128xf32>
      %add3A_330 = arith.addf %add3A_326, %get3A_329 : vector<1x128xf32>
      %max3A_331 = arith.constant 0.000000e+00 : f32
      %max3A_332 = vector.broadcast %max3A_331 : f32 to vector<1x128xf32>
      %max3A_333 = arith.maximumf %add3A_330, %max3A_332 : vector<1x128xf32>
      %swap3A_334 = arith.constant 0 : index
      %swap3A_335 = arith.constant 0 : index
      %swap3A_336 = vector.load %arg13[%swap3A_334, %swap3A_335] : memref<1x128xf32, #tpu.memory_space<vmem>>, vector<1x128xf32>
      tpu.vector_store %arg13[%swap3A_334, %swap3A_335], %max3A_333 {strides = array<i32>} : memref<1x128xf32, #tpu.memory_space<vmem>>, vector<1x128xf32>,
      %broadcast_in_dim3A_337 = arith.constant 0xFF800000 : f32
      %broadcast_in_dim3A_338 = vector.broadcast %broadcast_in_dim3A_337 : f32 to vector<1x1xf32>
      %swap3A_339 = arith.constant 0 : index
      %swap3A_340 = arith.constant 0 : index
      %swap3A_341 = vector.load %arg14[%swap3A_339, %swap3A_340] : memref<1x1xf32, #tpu.memory_space<vmem>>, vector<1x1xf32>
      tpu.vector_store %arg14[%swap3A_339, %swap3A_340], %broadcast_in_dim3A_338 {strides = array<i32>} : memref<1x1xf32, #tpu.memory_space<vmem>>, vector<1x1xf32>,
      %broadcast_in_dim3A_342 = arith.constant 0.000000e+00 : f32
      %broadcast_in_dim3A_343 = vector.broadcast %broadcast_in_dim3A_342 : f32 to vector<1x1xf32>
      %swap3A_344 = arith.constant 0 : index
      %swap3A_345 = arith.constant 0 : index
      %swap3A_346 = vector.load %arg15[%swap3A_344, %swap3A_345] : memref<1x1xf32, #tpu.memory_space<vmem>>, vector<1x1xf32>
      tpu.vector_store %arg15[%swap3A_344, %swap3A_345], %broadcast_in_dim3A_343 {strides = array<i32>} : memref<1x1xf32, #tpu.memory_space<vmem>>, vector<1x1xf32>,
    } else {
    }
    %get3A = arith.constant 0 : index
    %get3A_2 = arith.constant 0 : index
    %get3A_3 = vector.load %arg13[%get3A, %get3A_2] : memref<1x128xf32, #tpu.memory_space<vmem>>, vector<1x128xf32>
    %get3A_4 = arith.constant 0 : index
    %get3A_5 = arith.constant 0 : index
    %get3A_6 = arith.constant 0 : index
    %get3A_7 = vector.load %arg4[%get3A_4, %get3A_5, %get3A_6] : memref<1x5000x128xf32, #tpu.memory_space<vmem>>, vector<1x5000x128xf32>
    %get3A_8 = vector.shape_cast %get3A_7 : vector<1x5000x128xf32> to vector<5000x128xf32>
    %dot_general3A = arith.constant dense<0.000000e+00> : vector<1x5000xf32>
    %dot_general3A_9 = tpu.matmul %get3A_3, %get3A_8, %dot_general3A {dimension_numbers = #tpu.dot_dimension_numbers<[1], [1], [0], [0], [0, 0, 1, 0], [], []>, transpose_lhs_hint = false} : vector<1x128xf32>, vector<5000x128xf32>, vector<1x5000xf32> -> vector<1x5000xf32>
    %get3A_10 = arith.constant 0 : index
    %get3A_11 = arith.constant 0 : index
    %get3A_12 = arith.constant 0 : index
    %get3A_13 = vector.load %arg5[%get3A_10, %get3A_11, %get3A_12] : memref<1x1x5000xf32, #tpu.memory_space<vmem>>, vector<1x1x5000xf32>
    %get3A_14 = vector.shape_cast %get3A_13 : vector<1x1x5000xf32> to vector<1x5000xf32>
    %add3A = arith.addf %dot_general3A_9, %get3A_14 : vector<1x5000xf32>
    %add3A_15 = arith.constant 0 : i32
    %add3A_16 = arith.addi %add3A_15, %arg0 : i32
    %swap3A = arith.index_cast %add3A_16 : i32 to index
    %swap3A_17 = arith.constant 0 : index
    %swap3A_18 = arith.constant 0 : index
    %swap3A_19 = vector.load %arg12[%swap3A, %swap3A_17, %swap3A_18] : memref<20x1x5000xf32, #tpu.memory_space<vmem>>, vector<1x1x5000xf32>
    %swap3A_20 = vector.shape_cast %swap3A_19 : vector<1x1x5000xf32> to vector<1x5000xf32>
    %swap3A_21 = vector.shape_cast %add3A : vector<1x5000xf32> to vector<1x1x5000xf32>
    tpu.vector_store %arg12[%swap3A, %swap3A_17, %swap3A_18], %swap3A_21 {strides = array<i32>} : memref<20x1x5000xf32, #tpu.memory_space<vmem>>, vector<1x1x5000xf32>,
    %get3A_22 = arith.constant 0 : index
    %get3A_23 = arith.constant 0 : index
    %get3A_24 = arith.constant 0 : index
    %get3A_25 = vector.load %arg6[%get3A_22, %get3A_23, %get3A_24] : memref<1x5000x128xf32, #tpu.memory_space<vmem>>, vector<1x5000x128xf32>
    %get3A_26 = vector.shape_cast %get3A_25 : vector<1x5000x128xf32> to vector<5000x128xf32>
    %dot_general3A_27 = arith.constant dense<0.000000e+00> : vector<1x5000xf32>
    %dot_general3A_28 = tpu.matmul %get3A_3, %get3A_26, %dot_general3A_27 {dimension_numbers = #tpu.dot_dimension_numbers<[1], [1], [0], [0], [0, 0, 1, 0], [], []>, transpose_lhs_hint = false} : vector<1x128xf32>, vector<5000x128xf32>, vector<1x5000xf32> -> vector<1x5000xf32>
    %get3A_29 = arith.constant 0 : index
    %get3A_30 = arith.constant 0 : index
    %get3A_31 = arith.constant 0 : index
    %get3A_32 = vector.load %arg7[%get3A_29, %get3A_30, %get3A_31] : memref<1x1x5000xf32, #tpu.memory_space<vmem>>, vector<1x1x5000xf32>
    %get3A_33 = vector.shape_cast %get3A_32 : vector<1x1x5000xf32> to vector<1x5000xf32>
    %add3A_34 = arith.addf %dot_general3A_28, %get3A_33 : vector<1x5000xf32>
    %add3A_35 = arith.constant 5 : i32
    %add3A_36 = arith.addi %add3A_35, %arg0 : i32
    %swap3A_37 = arith.index_cast %add3A_36 : i32 to index
    %swap3A_38 = arith.constant 0 : index
    %swap3A_39 = arith.constant 0 : index
    %swap3A_40 = vector.load %arg12[%swap3A_37, %swap3A_38, %swap3A_39] : memref<20x1x5000xf32, #tpu.memory_space<vmem>>, vector<1x1x5000xf32>
    %swap3A_41 = vector.shape_cast %swap3A_40 : vector<1x1x5000xf32> to vector<1x5000xf32>
    %swap3A_42 = vector.shape_cast %add3A_34 : vector<1x5000xf32> to vector<1x1x5000xf32>
    tpu.vector_store %arg12[%swap3A_37, %swap3A_38, %swap3A_39], %swap3A_42 {strides = array<i32>} : memref<20x1x5000xf32, #tpu.memory_space<vmem>>, vector<1x1x5000xf32>,
    %get3A_43 = arith.constant 0 : index
    %get3A_44 = arith.constant 0 : index
    %get3A_45 = arith.constant 0 : index
    %get3A_46 = vector.load %arg8[%get3A_43, %get3A_44, %get3A_45] : memref<1x5000x128xf32, #tpu.memory_space<vmem>>, vector<1x5000x128xf32>
    %get3A_47 = vector.shape_cast %get3A_46 : vector<1x5000x128xf32> to vector<5000x128xf32>
    %dot_general3A_48 = arith.constant dense<0.000000e+00> : vector<1x5000xf32>
    %dot_general3A_49 = tpu.matmul %get3A_3, %get3A_47, %dot_general3A_48 {dimension_numbers = #tpu.dot_dimension_numbers<[1], [1], [0], [0], [0, 0, 1, 0], [], []>, transpose_lhs_hint = false} : vector<1x128xf32>, vector<5000x128xf32>, vector<1x5000xf32> -> vector<1x5000xf32>
    %get3A_50 = arith.constant 0 : index
    %get3A_51 = arith.constant 0 : index
    %get3A_52 = arith.constant 0 : index
    %get3A_53 = vector.load %arg9[%get3A_50, %get3A_51, %get3A_52] : memref<1x1x5000xf32, #tpu.memory_space<vmem>>, vector<1x1x5000xf32>
    %get3A_54 = vector.shape_cast %get3A_53 : vector<1x1x5000xf32> to vector<1x5000xf32>
    %add3A_55 = arith.addf %dot_general3A_49, %get3A_54 : vector<1x5000xf32>
    %add3A_56 = arith.constant 10 : i32
    %add3A_57 = arith.addi %add3A_56, %arg0 : i32
    %swap3A_58 = arith.index_cast %add3A_57 : i32 to index
    %swap3A_59 = arith.constant 0 : index
    %swap3A_60 = arith.constant 0 : index
    %swap3A_61 = vector.load %arg12[%swap3A_58, %swap3A_59, %swap3A_60] : memref<20x1x5000xf32, #tpu.memory_space<vmem>>, vector<1x1x5000xf32>
    %swap3A_62 = vector.shape_cast %swap3A_61 : vector<1x1x5000xf32> to vector<1x5000xf32>
    %swap3A_63 = vector.shape_cast %add3A_55 : vector<1x5000xf32> to vector<1x1x5000xf32>
    tpu.vector_store %arg12[%swap3A_58, %swap3A_59, %swap3A_60], %swap3A_63 {strides = array<i32>} : memref<20x1x5000xf32, #tpu.memory_space<vmem>>, vector<1x1x5000xf32>,
    %get3A_64 = arith.constant 0 : index
    %get3A_65 = arith.constant 0 : index
    %get3A_66 = arith.constant 0 : index
    %get3A_67 = vector.load %arg10[%get3A_64, %get3A_65, %get3A_66] : memref<1x5000x128xf32, #tpu.memory_space<vmem>>, vector<1x5000x128xf32>
    %get3A_68 = vector.shape_cast %get3A_67 : vector<1x5000x128xf32> to vector<5000x128xf32>
    %dot_general3A_69 = arith.constant dense<0.000000e+00> : vector<1x5000xf32>
    %dot_general3A_70 = tpu.matmul %get3A_3, %get3A_68, %dot_general3A_69 {dimension_numbers = #tpu.dot_dimension_numbers<[1], [1], [0], [0], [0, 0, 1, 0], [], []>, transpose_lhs_hint = false} : vector<1x128xf32>, vector<5000x128xf32>, vector<1x5000xf32> -> vector<1x5000xf32>
    %get3A_71 = arith.constant 0 : index
    %get3A_72 = arith.constant 0 : index
    %get3A_73 = arith.constant 0 : index
    %get3A_74 = vector.load %arg11[%get3A_71, %get3A_72, %get3A_73] : memref<1x1x5000xf32, #tpu.memory_space<vmem>>, vector<1x1x5000xf32>
    %get3A_75 = vector.shape_cast %get3A_74 : vector<1x1x5000xf32> to vector<1x5000xf32>
    %add3A_76 = arith.addf %dot_general3A_70, %get3A_75 : vector<1x5000xf32>
    %add3A_77 = arith.constant 15 : i32
    %add3A_78 = arith.addi %add3A_77, %arg0 : i32
    %swap3A_79 = arith.index_cast %add3A_78 : i32 to index
    %swap3A_80 = arith.constant 0 : index
    %swap3A_81 = arith.constant 0 : index
    %swap3A_82 = vector.load %arg12[%swap3A_79, %swap3A_80, %swap3A_81] : memref<20x1x5000xf32, #tpu.memory_space<vmem>>, vector<1x1x5000xf32>
    %swap3A_83 = vector.shape_cast %swap3A_82 : vector<1x1x5000xf32> to vector<1x5000xf32>
    %swap3A_84 = vector.shape_cast %add3A_76 : vector<1x5000xf32> to vector<1x1x5000xf32>
    tpu.vector_store %arg12[%swap3A_79, %swap3A_80, %swap3A_81], %swap3A_84 {strides = array<i32>} : memref<20x1x5000xf32, #tpu.memory_space<vmem>>, vector<1x1x5000xf32>,
    %get3A_85 = arith.constant 0 : index
    %get3A_86 = arith.constant 0 : index
    %get3A_87 = vector.load %arg14[%get3A_85, %get3A_86] : memref<1x1xf32, #tpu.memory_space<vmem>>, vector<1x1xf32>
    %get3A_88 = arith.constant 0 : index
    %get3A_89 = arith.constant 0 : index
    %get3A_90 = vector.load %arg15[%get3A_88, %get3A_89] : memref<1x1xf32, #tpu.memory_space<vmem>>, vector<1x1xf32>
    %reduce_max3A = arith.constant dense<0xFF800000> : vector<1xf32>
    %reduce_max3A_91 = vector.multi_reduction <maximumf>, %add3A, %reduce_max3A [1] : vector<1x5000xf32> to vector<1xf32>
    %broadcast_in_dim3A = vector.shape_cast %reduce_max3A_91 : vector<1xf32> to vector<1x1xf32>
    %max3A = arith.maximumf %get3A_87, %broadcast_in_dim3A : vector<1x1xf32>
    %reduce_max3A_92 = arith.constant dense<0xFF800000> : vector<1xf32>
    %reduce_max3A_93 = vector.multi_reduction <maximumf>, %add3A_34, %reduce_max3A_92 [1] : vector<1x5000xf32> to vector<1xf32>
    %broadcast_in_dim3A_94 = vector.shape_cast %reduce_max3A_93 : vector<1xf32> to vector<1x1xf32>
    %max3A_95 = arith.maximumf %max3A, %broadcast_in_dim3A_94 : vector<1x1xf32>
    %reduce_max3A_96 = arith.constant dense<0xFF800000> : vector<1xf32>
    %reduce_max3A_97 = vector.multi_reduction <maximumf>, %add3A_55, %reduce_max3A_96 [1] : vector<1x5000xf32> to vector<1xf32>
    %broadcast_in_dim3A_98 = vector.shape_cast %reduce_max3A_97 : vector<1xf32> to vector<1x1xf32>
    %max3A_99 = arith.maximumf %max3A_95, %broadcast_in_dim3A_98 : vector<1x1xf32>
    %reduce_max3A_100 = arith.constant dense<0xFF800000> : vector<1xf32>
    %reduce_max3A_101 = vector.multi_reduction <maximumf>, %add3A_76, %reduce_max3A_100 [1] : vector<1x5000xf32> to vector<1xf32>
    %broadcast_in_dim3A_102 = vector.shape_cast %reduce_max3A_101 : vector<1xf32> to vector<1x1xf32>
    %max3A_103 = arith.maximumf %max3A_99, %broadcast_in_dim3A_102 : vector<1x1xf32>
    %broadcast_in_dim3A_104 = arith.constant 0.000000e+00 : f32
    %broadcast_in_dim3A_105 = vector.broadcast %broadcast_in_dim3A_104 : f32 to vector<1x1xf32>
    %sub3A = vector.broadcast %max3A_103 : vector<1x1xf32> to vector<1x5000xf32>
    %sub3A_106 = arith.subf %add3A, %sub3A : vector<1x5000xf32>
    %exp3A = math.exp %sub3A_106 : vector<1x5000xf32>
    %reduce_sum3A = arith.constant dense<0.000000e+00> : vector<1xf32>
    %reduce_sum3A_107 = vector.multi_reduction <add>, %exp3A, %reduce_sum3A [1] : vector<1x5000xf32> to vector<1xf32>
    %broadcast_in_dim3A_108 = vector.shape_cast %reduce_sum3A_107 : vector<1xf32> to vector<1x1xf32>
    %add3A_109 = arith.addf %broadcast_in_dim3A_105, %broadcast_in_dim3A_108 : vector<1x1xf32>
    %sub3A_110 = vector.broadcast %max3A_103 : vector<1x1xf32> to vector<1x5000xf32>
    %sub3A_111 = arith.subf %add3A_34, %sub3A_110 : vector<1x5000xf32>
    %exp3A_112 = math.exp %sub3A_111 : vector<1x5000xf32>
    %reduce_sum3A_113 = arith.constant dense<0.000000e+00> : vector<1xf32>
    %reduce_sum3A_114 = vector.multi_reduction <add>, %exp3A_112, %reduce_sum3A_113 [1] : vector<1x5000xf32> to vector<1xf32>
    %broadcast_in_dim3A_115 = vector.shape_cast %reduce_sum3A_114 : vector<1xf32> to vector<1x1xf32>
    %add3A_116 = arith.addf %add3A_109, %broadcast_in_dim3A_115 : vector<1x1xf32>
    %sub3A_117 = vector.broadcast %max3A_103 : vector<1x1xf32> to vector<1x5000xf32>
    %sub3A_118 = arith.subf %add3A_55, %sub3A_117 : vector<1x5000xf32>
    %exp3A_119 = math.exp %sub3A_118 : vector<1x5000xf32>
    %reduce_sum3A_120 = arith.constant dense<0.000000e+00> : vector<1xf32>
    %reduce_sum3A_121 = vector.multi_reduction <add>, %exp3A_119, %reduce_sum3A_120 [1] : vector<1x5000xf32> to vector<1xf32>
    %broadcast_in_dim3A_122 = vector.shape_cast %reduce_sum3A_121 : vector<1xf32> to vector<1x1xf32>
    %add3A_123 = arith.addf %add3A_116, %broadcast_in_dim3A_122 : vector<1x1xf32>
    %sub3A_124 = vector.broadcast %max3A_103 : vector<1x1xf32> to vector<1x5000xf32>
    %sub3A_125 = arith.subf %add3A_76, %sub3A_124 : vector<1x5000xf32>
    %exp3A_126 = math.exp %sub3A_125 : vector<1x5000xf32>
    %reduce_sum3A_127 = arith.constant dense<0.000000e+00> : vector<1xf32>
    %reduce_sum3A_128 = vector.multi_reduction <add>, %exp3A_126, %reduce_sum3A_127 [1] : vector<1x5000xf32> to vector<1xf32>
    %broadcast_in_dim3A_129 = vector.shape_cast %reduce_sum3A_128 : vector<1xf32> to vector<1x1xf32>
    %add3A_130 = arith.addf %add3A_123, %broadcast_in_dim3A_129 : vector<1x1xf32>
    %sub3A_131 = arith.subf %get3A_87, %max3A_103 : vector<1x1xf32>
    %exp3A_132 = math.exp %sub3A_131 : vector<1x1xf32>
    %mul3A = arith.mulf %get3A_90, %exp3A_132 : vector<1x1xf32>
    %add3A_133 = arith.addf %mul3A, %add3A_130 : vector<1x1xf32>
    %swap3A_134 = arith.constant 0 : index
    %swap3A_135 = arith.constant 0 : index
    %swap3A_136 = vector.load %arg14[%swap3A_134, %swap3A_135] : memref<1x1xf32, #tpu.memory_space<vmem>>, vector<1x1xf32>
    tpu.vector_store %arg14[%swap3A_134, %swap3A_135], %max3A_103 {strides = array<i32>} : memref<1x1xf32, #tpu.memory_space<vmem>>, vector<1x1xf32>,
    %swap3A_137 = arith.constant 0 : index
    %swap3A_138 = arith.constant 0 : index
    %swap3A_139 = vector.load %arg15[%swap3A_137, %swap3A_138] : memref<1x1xf32, #tpu.memory_space<vmem>>, vector<1x1xf32>
    tpu.vector_store %arg15[%swap3A_137, %swap3A_138], %add3A_133 {strides = array<i32>} : memref<1x1xf32, #tpu.memory_space<vmem>>, vector<1x1xf32>,
    %eq3A_140 = arith.constant 4 : i32
    %eq3A_141 = arith.cmpi eq, %arg0, %eq3A_140 : i32
    %convert_element_type3A_142 = arith.extui %eq3A_141 : i1 to i32
    %cond3A_143 = arith.constant 0 : i32
    %cond3A_144 = arith.cmpi ne, %convert_element_type3A_142, %cond3A_143 : i32
    scf.if %cond3A_144 {
      %log3A = math.log %add3A_133 : vector<1x1xf32>
      %add3A_145 = arith.addf %max3A_103, %log3A : vector<1x1xf32>
      %get3A_146 = arith.constant 0 : index
      %get3A_147 = arith.constant 0 : index
      %get3A_148 = arith.constant 0 : index
      %get3A_149 = vector.load %arg12[%get3A_146, %get3A_147, %get3A_148] : memref<20x1x5000xf32, #tpu.memory_space<vmem>>, vector<1x1x5000xf32>
      %get3A_150 = vector.shape_cast %get3A_149 : vector<1x1x5000xf32> to vector<1x5000xf32>
      %sub3A_151 = vector.broadcast %add3A_145 : vector<1x1xf32> to vector<1x5000xf32>
      %sub3A_152 = arith.subf %get3A_150, %sub3A_151 : vector<1x5000xf32>
      %swap3A_153 = arith.constant 0 : index
      %swap3A_154 = arith.constant 0 : index
      %swap3A_155 = arith.constant 0 : index
      %swap3A_156 = vector.load %arg12[%swap3A_153, %swap3A_154, %swap3A_155] : memref<20x1x5000xf32, #tpu.memory_space<vmem>>, vector<1x1x5000xf32>
      %swap3A_157 = vector.shape_cast %swap3A_156 : vector<1x1x5000xf32> to vector<1x5000xf32>
      %swap3A_158 = vector.shape_cast %sub3A_152 : vector<1x5000xf32> to vector<1x1x5000xf32>
      tpu.vector_store %arg12[%swap3A_153, %swap3A_154, %swap3A_155], %swap3A_158 {strides = array<i32>} : memref<20x1x5000xf32, #tpu.memory_space<vmem>>, vector<1x1x5000xf32>,
      %get3A_159 = arith.constant 1 : index
      %get3A_160 = arith.constant 0 : index
      %get3A_161 = arith.constant 0 : index
      %get3A_162 = vector.load %arg12[%get3A_159, %get3A_160, %get3A_161] : memref<20x1x5000xf32, #tpu.memory_space<vmem>>, vector<1x1x5000xf32>
      %get3A_163 = vector.shape_cast %get3A_162 : vector<1x1x5000xf32> to vector<1x5000xf32>
      %sub3A_164 = vector.broadcast %add3A_145 : vector<1x1xf32> to vector<1x5000xf32>
      %sub3A_165 = arith.subf %get3A_163, %sub3A_164 : vector<1x5000xf32>
      %swap3A_166 = arith.constant 1 : index
      %swap3A_167 = arith.constant 0 : index
      %swap3A_168 = arith.constant 0 : index
      %swap3A_169 = vector.load %arg12[%swap3A_166, %swap3A_167, %swap3A_168] : memref<20x1x5000xf32, #tpu.memory_space<vmem>>, vector<1x1x5000xf32>
      %swap3A_170 = vector.shape_cast %swap3A_169 : vector<1x1x5000xf32> to vector<1x5000xf32>
      %swap3A_171 = vector.shape_cast %sub3A_165 : vector<1x5000xf32> to vector<1x1x5000xf32>
      tpu.vector_store %arg12[%swap3A_166, %swap3A_167, %swap3A_168], %swap3A_171 {strides = array<i32>} : memref<20x1x5000xf32, #tpu.memory_space<vmem>>, vector<1x1x5000xf32>,
      %get3A_172 = arith.constant 2 : index
      %get3A_173 = arith.constant 0 : index
      %get3A_174 = arith.constant 0 : index
      %get3A_175 = vector.load %arg12[%get3A_172, %get3A_173, %get3A_174] : memref<20x1x5000xf32, #tpu.memory_space<vmem>>, vector<1x1x5000xf32>
      %get3A_176 = vector.shape_cast %get3A_175 : vector<1x1x5000xf32> to vector<1x5000xf32>
      %sub3A_177 = vector.broadcast %add3A_145 : vector<1x1xf32> to vector<1x5000xf32>
      %sub3A_178 = arith.subf %get3A_176, %sub3A_177 : vector<1x5000xf32>
      %swap3A_179 = arith.constant 2 : index
      %swap3A_180 = arith.constant 0 : index
      %swap3A_181 = arith.constant 0 : index
      %swap3A_182 = vector.load %arg12[%swap3A_179, %swap3A_180, %swap3A_181] : memref<20x1x5000xf32, #tpu.memory_space<vmem>>, vector<1x1x5000xf32>
      %swap3A_183 = vector.shape_cast %swap3A_182 : vector<1x1x5000xf32> to vector<1x5000xf32>
      %swap3A_184 = vector.shape_cast %sub3A_178 : vector<1x5000xf32> to vector<1x1x5000xf32>
      tpu.vector_store %arg12[%swap3A_179, %swap3A_180, %swap3A_181], %swap3A_184 {strides = array<i32>} : memref<20x1x5000xf32, #tpu.memory_space<vmem>>, vector<1x1x5000xf32>,
      %get3A_185 = arith.constant 3 : index
      %get3A_186 = arith.constant 0 : index
      %get3A_187 = arith.constant 0 : index
      %get3A_188 = vector.load %arg12[%get3A_185, %get3A_186, %get3A_187] : memref<20x1x5000xf32, #tpu.memory_space<vmem>>, vector<1x1x5000xf32>
      %get3A_189 = vector.shape_cast %get3A_188 : vector<1x1x5000xf32> to vector<1x5000xf32>
      %sub3A_190 = vector.broadcast %add3A_145 : vector<1x1xf32> to vector<1x5000xf32>
      %sub3A_191 = arith.subf %get3A_189, %sub3A_190 : vector<1x5000xf32>
      %swap3A_192 = arith.constant 3 : index
      %swap3A_193 = arith.constant 0 : index
      %swap3A_194 = arith.constant 0 : index
      %swap3A_195 = vector.load %arg12[%swap3A_192, %swap3A_193, %swap3A_194] : memref<20x1x5000xf32, #tpu.memory_space<vmem>>, vector<1x1x5000xf32>
      %swap3A_196 = vector.shape_cast %swap3A_195 : vector<1x1x5000xf32> to vector<1x5000xf32>
      %swap3A_197 = vector.shape_cast %sub3A_191 : vector<1x5000xf32> to vector<1x1x5000xf32>
      tpu.vector_store %arg12[%swap3A_192, %swap3A_193, %swap3A_194], %swap3A_197 {strides = array<i32>} : memref<20x1x5000xf32, #tpu.memory_space<vmem>>, vector<1x1x5000xf32>,
      %get3A_198 = arith.constant 4 : index
      %get3A_199 = arith.constant 0 : index
      %get3A_200 = arith.constant 0 : index
      %get3A_201 = vector.load %arg12[%get3A_198, %get3A_199, %get3A_200] : memref<20x1x5000xf32, #tpu.memory_space<vmem>>, vector<1x1x5000xf32>
      %get3A_202 = vector.shape_cast %get3A_201 : vector<1x1x5000xf32> to vector<1x5000xf32>
      %sub3A_203 = vector.broadcast %add3A_145 : vector<1x1xf32> to vector<1x5000xf32>
      %sub3A_204 = arith.subf %get3A_202, %sub3A_203 : vector<1x5000xf32>
      %swap3A_205 = arith.constant 4 : index
      %swap3A_206 = arith.constant 0 : index
      %swap3A_207 = arith.constant 0 : index
      %swap3A_208 = vector.load %arg12[%swap3A_205, %swap3A_206, %swap3A_207] : memref<20x1x5000xf32, #tpu.memory_space<vmem>>, vector<1x1x5000xf32>
      %swap3A_209 = vector.shape_cast %swap3A_208 : vector<1x1x5000xf32> to vector<1x5000xf32>
      %swap3A_210 = vector.shape_cast %sub3A_204 : vector<1x5000xf32> to vector<1x1x5000xf32>
      tpu.vector_store %arg12[%swap3A_205, %swap3A_206, %swap3A_207], %swap3A_210 {strides = array<i32>} : memref<20x1x5000xf32, #tpu.memory_space<vmem>>, vector<1x1x5000xf32>,
      %get3A_211 = arith.constant 5 : index
      %get3A_212 = arith.constant 0 : index
      %get3A_213 = arith.constant 0 : index
      %get3A_214 = vector.load %arg12[%get3A_211, %get3A_212, %get3A_213] : memref<20x1x5000xf32, #tpu.memory_space<vmem>>, vector<1x1x5000xf32>
      %get3A_215 = vector.shape_cast %get3A_214 : vector<1x1x5000xf32> to vector<1x5000xf32>
      %sub3A_216 = vector.broadcast %add3A_145 : vector<1x1xf32> to vector<1x5000xf32>
      %sub3A_217 = arith.subf %get3A_215, %sub3A_216 : vector<1x5000xf32>
      %swap3A_218 = arith.constant 5 : index
      %swap3A_219 = arith.constant 0 : index
      %swap3A_220 = arith.constant 0 : index
      %swap3A_221 = vector.load %arg12[%swap3A_218, %swap3A_219, %swap3A_220] : memref<20x1x5000xf32, #tpu.memory_space<vmem>>, vector<1x1x5000xf32>
      %swap3A_222 = vector.shape_cast %swap3A_221 : vector<1x1x5000xf32> to vector<1x5000xf32>
      %swap3A_223 = vector.shape_cast %sub3A_217 : vector<1x5000xf32> to vector<1x1x5000xf32>
      tpu.vector_store %arg12[%swap3A_218, %swap3A_219, %swap3A_220], %swap3A_223 {strides = array<i32>} : memref<20x1x5000xf32, #tpu.memory_space<vmem>>, vector<1x1x5000xf32>,
      %get3A_224 = arith.constant 6 : index
      %get3A_225 = arith.constant 0 : index
      %get3A_226 = arith.constant 0 : index
      %get3A_227 = vector.load %arg12[%get3A_224, %get3A_225, %get3A_226] : memref<20x1x5000xf32, #tpu.memory_space<vmem>>, vector<1x1x5000xf32>
      %get3A_228 = vector.shape_cast %get3A_227 : vector<1x1x5000xf32> to vector<1x5000xf32>
      %sub3A_229 = vector.broadcast %add3A_145 : vector<1x1xf32> to vector<1x5000xf32>
      %sub3A_230 = arith.subf %get3A_228, %sub3A_229 : vector<1x5000xf32>
      %swap3A_231 = arith.constant 6 : index
      %swap3A_232 = arith.constant 0 : index
      %swap3A_233 = arith.constant 0 : index
      %swap3A_234 = vector.load %arg12[%swap3A_231, %swap3A_232, %swap3A_233] : memref<20x1x5000xf32, #tpu.memory_space<vmem>>, vector<1x1x5000xf32>
      %swap3A_235 = vector.shape_cast %swap3A_234 : vector<1x1x5000xf32> to vector<1x5000xf32>
      %swap3A_236 = vector.shape_cast %sub3A_230 : vector<1x5000xf32> to vector<1x1x5000xf32>
      tpu.vector_store %arg12[%swap3A_231, %swap3A_232, %swap3A_233], %swap3A_236 {strides = array<i32>} : memref<20x1x5000xf32, #tpu.memory_space<vmem>>, vector<1x1x5000xf32>,
      %get3A_237 = arith.constant 7 : index
      %get3A_238 = arith.constant 0 : index
      %get3A_239 = arith.constant 0 : index
      %get3A_240 = vector.load %arg12[%get3A_237, %get3A_238, %get3A_239] : memref<20x1x5000xf32, #tpu.memory_space<vmem>>, vector<1x1x5000xf32>
      %get3A_241 = vector.shape_cast %get3A_240 : vector<1x1x5000xf32> to vector<1x5000xf32>
      %sub3A_242 = vector.broadcast %add3A_145 : vector<1x1xf32> to vector<1x5000xf32>
      %sub3A_243 = arith.subf %get3A_241, %sub3A_242 : vector<1x5000xf32>
      %swap3A_244 = arith.constant 7 : index
      %swap3A_245 = arith.constant 0 : index
      %swap3A_246 = arith.constant 0 : index
      %swap3A_247 = vector.load %arg12[%swap3A_244, %swap3A_245, %swap3A_246] : memref<20x1x5000xf32, #tpu.memory_space<vmem>>, vector<1x1x5000xf32>
      %swap3A_248 = vector.shape_cast %swap3A_247 : vector<1x1x5000xf32> to vector<1x5000xf32>
      %swap3A_249 = vector.shape_cast %sub3A_243 : vector<1x5000xf32> to vector<1x1x5000xf32>
      tpu.vector_store %arg12[%swap3A_244, %swap3A_245, %swap3A_246], %swap3A_249 {strides = array<i32>} : memref<20x1x5000xf32, #tpu.memory_space<vmem>>, vector<1x1x5000xf32>,
      %get3A_250 = arith.constant 8 : index
      %get3A_251 = arith.constant 0 : index
      %get3A_252 = arith.constant 0 : index
      %get3A_253 = vector.load %arg12[%get3A_250, %get3A_251, %get3A_252] : memref<20x1x5000xf32, #tpu.memory_space<vmem>>, vector<1x1x5000xf32>
      %get3A_254 = vector.shape_cast %get3A_253 : vector<1x1x5000xf32> to vector<1x5000xf32>
      %sub3A_255 = vector.broadcast %add3A_145 : vector<1x1xf32> to vector<1x5000xf32>
      %sub3A_256 = arith.subf %get3A_254, %sub3A_255 : vector<1x5000xf32>
      %swap3A_257 = arith.constant 8 : index
      %swap3A_258 = arith.constant 0 : index
      %swap3A_259 = arith.constant 0 : index
      %swap3A_260 = vector.load %arg12[%swap3A_257, %swap3A_258, %swap3A_259] : memref<20x1x5000xf32, #tpu.memory_space<vmem>>, vector<1x1x5000xf32>
      %swap3A_261 = vector.shape_cast %swap3A_260 : vector<1x1x5000xf32> to vector<1x5000xf32>
      %swap3A_262 = vector.shape_cast %sub3A_256 : vector<1x5000xf32> to vector<1x1x5000xf32>
      tpu.vector_store %arg12[%swap3A_257, %swap3A_258, %swap3A_259], %swap3A_262 {strides = array<i32>} : memref<20x1x5000xf32, #tpu.memory_space<vmem>>, vector<1x1x5000xf32>,
      %get3A_263 = arith.constant 9 : index
      %get3A_264 = arith.constant 0 : index
      %get3A_265 = arith.constant 0 : index
      %get3A_266 = vector.load %arg12[%get3A_263, %get3A_264, %get3A_265] : memref<20x1x5000xf32, #tpu.memory_space<vmem>>, vector<1x1x5000xf32>
      %get3A_267 = vector.shape_cast %get3A_266 : vector<1x1x5000xf32> to vector<1x5000xf32>
      %sub3A_268 = vector.broadcast %add3A_145 : vector<1x1xf32> to vector<1x5000xf32>
      %sub3A_269 = arith.subf %get3A_267, %sub3A_268 : vector<1x5000xf32>
      %swap3A_270 = arith.constant 9 : index
      %swap3A_271 = arith.constant 0 : index
      %swap3A_272 = arith.constant 0 : index
      %swap3A_273 = vector.load %arg12[%swap3A_270, %swap3A_271, %swap3A_272] : memref<20x1x5000xf32, #tpu.memory_space<vmem>>, vector<1x1x5000xf32>
      %swap3A_274 = vector.shape_cast %swap3A_273 : vector<1x1x5000xf32> to vector<1x5000xf32>
      %swap3A_275 = vector.shape_cast %sub3A_269 : vector<1x5000xf32> to vector<1x1x5000xf32>
      tpu.vector_store %arg12[%swap3A_270, %swap3A_271, %swap3A_272], %swap3A_275 {strides = array<i32>} : memref<20x1x5000xf32, #tpu.memory_space<vmem>>, vector<1x1x5000xf32>,
      %get3A_276 = arith.constant 10 : index
      %get3A_277 = arith.constant 0 : index
      %get3A_278 = arith.constant 0 : index
      %get3A_279 = vector.load %arg12[%get3A_276, %get3A_277, %get3A_278] : memref<20x1x5000xf32, #tpu.memory_space<vmem>>, vector<1x1x5000xf32>
      %get3A_280 = vector.shape_cast %get3A_279 : vector<1x1x5000xf32> to vector<1x5000xf32>
      %sub3A_281 = vector.broadcast %add3A_145 : vector<1x1xf32> to vector<1x5000xf32>
      %sub3A_282 = arith.subf %get3A_280, %sub3A_281 : vector<1x5000xf32>
      %swap3A_283 = arith.constant 10 : index
      %swap3A_284 = arith.constant 0 : index
      %swap3A_285 = arith.constant 0 : index
      %swap3A_286 = vector.load %arg12[%swap3A_283, %swap3A_284, %swap3A_285] : memref<20x1x5000xf32, #tpu.memory_space<vmem>>, vector<1x1x5000xf32>
      %swap3A_287 = vector.shape_cast %swap3A_286 : vector<1x1x5000xf32> to vector<1x5000xf32>
      %swap3A_288 = vector.shape_cast %sub3A_282 : vector<1x5000xf32> to vector<1x1x5000xf32>
      tpu.vector_store %arg12[%swap3A_283, %swap3A_284, %swap3A_285], %swap3A_288 {strides = array<i32>} : memref<20x1x5000xf32, #tpu.memory_space<vmem>>, vector<1x1x5000xf32>,
      %get3A_289 = arith.constant 11 : index
      %get3A_290 = arith.constant 0 : index
      %get3A_291 = arith.constant 0 : index
      %get3A_292 = vector.load %arg12[%get3A_289, %get3A_290, %get3A_291] : memref<20x1x5000xf32, #tpu.memory_space<vmem>>, vector<1x1x5000xf32>
      %get3A_293 = vector.shape_cast %get3A_292 : vector<1x1x5000xf32> to vector<1x5000xf32>
      %sub3A_294 = vector.broadcast %add3A_145 : vector<1x1xf32> to vector<1x5000xf32>
      %sub3A_295 = arith.subf %get3A_293, %sub3A_294 : vector<1x5000xf32>
      %swap3A_296 = arith.constant 11 : index
      %swap3A_297 = arith.constant 0 : index
      %swap3A_298 = arith.constant 0 : index
      %swap3A_299 = vector.load %arg12[%swap3A_296, %swap3A_297, %swap3A_298] : memref<20x1x5000xf32, #tpu.memory_space<vmem>>, vector<1x1x5000xf32>
      %swap3A_300 = vector.shape_cast %swap3A_299 : vector<1x1x5000xf32> to vector<1x5000xf32>
      %swap3A_301 = vector.shape_cast %sub3A_295 : vector<1x5000xf32> to vector<1x1x5000xf32>
      tpu.vector_store %arg12[%swap3A_296, %swap3A_297, %swap3A_298], %swap3A_301 {strides = array<i32>} : memref<20x1x5000xf32, #tpu.memory_space<vmem>>, vector<1x1x5000xf32>,
      %get3A_302 = arith.constant 12 : index
      %get3A_303 = arith.constant 0 : index
      %get3A_304 = arith.constant 0 : index
      %get3A_305 = vector.load %arg12[%get3A_302, %get3A_303, %get3A_304] : memref<20x1x5000xf32, #tpu.memory_space<vmem>>, vector<1x1x5000xf32>
      %get3A_306 = vector.shape_cast %get3A_305 : vector<1x1x5000xf32> to vector<1x5000xf32>
      %sub3A_307 = vector.broadcast %add3A_145 : vector<1x1xf32> to vector<1x5000xf32>
      %sub3A_308 = arith.subf %get3A_306, %sub3A_307 : vector<1x5000xf32>
      %swap3A_309 = arith.constant 12 : index
      %swap3A_310 = arith.constant 0 : index
      %swap3A_311 = arith.constant 0 : index
      %swap3A_312 = vector.load %arg12[%swap3A_309, %swap3A_310, %swap3A_311] : memref<20x1x5000xf32, #tpu.memory_space<vmem>>, vector<1x1x5000xf32>
      %swap3A_313 = vector.shape_cast %swap3A_312 : vector<1x1x5000xf32> to vector<1x5000xf32>
      %swap3A_314 = vector.shape_cast %sub3A_308 : vector<1x5000xf32> to vector<1x1x5000xf32>
      tpu.vector_store %arg12[%swap3A_309, %swap3A_310, %swap3A_311], %swap3A_314 {strides = array<i32>} : memref<20x1x5000xf32, #tpu.memory_space<vmem>>, vector<1x1x5000xf32>,
      %get3A_315 = arith.constant 13 : index
      %get3A_316 = arith.constant 0 : index
      %get3A_317 = arith.constant 0 : index
      %get3A_318 = vector.load %arg12[%get3A_315, %get3A_316, %get3A_317] : memref<20x1x5000xf32, #tpu.memory_space<vmem>>, vector<1x1x5000xf32>
      %get3A_319 = vector.shape_cast %get3A_318 : vector<1x1x5000xf32> to vector<1x5000xf32>
      %sub3A_320 = vector.broadcast %add3A_145 : vector<1x1xf32> to vector<1x5000xf32>
      %sub3A_321 = arith.subf %get3A_319, %sub3A_320 : vector<1x5000xf32>
      %swap3A_322 = arith.constant 13 : index
      %swap3A_323 = arith.constant 0 : index
      %swap3A_324 = arith.constant 0 : index
      %swap3A_325 = vector.load %arg12[%swap3A_322, %swap3A_323, %swap3A_324] : memref<20x1x5000xf32, #tpu.memory_space<vmem>>, vector<1x1x5000xf32>
      %swap3A_326 = vector.shape_cast %swap3A_325 : vector<1x1x5000xf32> to vector<1x5000xf32>
      %swap3A_327 = vector.shape_cast %sub3A_321 : vector<1x5000xf32> to vector<1x1x5000xf32>
      tpu.vector_store %arg12[%swap3A_322, %swap3A_323, %swap3A_324], %swap3A_327 {strides = array<i32>} : memref<20x1x5000xf32, #tpu.memory_space<vmem>>, vector<1x1x5000xf32>,
      %get3A_328 = arith.constant 14 : index
      %get3A_329 = arith.constant 0 : index
      %get3A_330 = arith.constant 0 : index
      %get3A_331 = vector.load %arg12[%get3A_328, %get3A_329, %get3A_330] : memref<20x1x5000xf32, #tpu.memory_space<vmem>>, vector<1x1x5000xf32>
      %get3A_332 = vector.shape_cast %get3A_331 : vector<1x1x5000xf32> to vector<1x5000xf32>
      %sub3A_333 = vector.broadcast %add3A_145 : vector<1x1xf32> to vector<1x5000xf32>
      %sub3A_334 = arith.subf %get3A_332, %sub3A_333 : vector<1x5000xf32>
      %swap3A_335 = arith.constant 14 : index
      %swap3A_336 = arith.constant 0 : index
      %swap3A_337 = arith.constant 0 : index
      %swap3A_338 = vector.load %arg12[%swap3A_335, %swap3A_336, %swap3A_337] : memref<20x1x5000xf32, #tpu.memory_space<vmem>>, vector<1x1x5000xf32>
      %swap3A_339 = vector.shape_cast %swap3A_338 : vector<1x1x5000xf32> to vector<1x5000xf32>
      %swap3A_340 = vector.shape_cast %sub3A_334 : vector<1x5000xf32> to vector<1x1x5000xf32>
      tpu.vector_store %arg12[%swap3A_335, %swap3A_336, %swap3A_337], %swap3A_340 {strides = array<i32>} : memref<20x1x5000xf32, #tpu.memory_space<vmem>>, vector<1x1x5000xf32>,
      %get3A_341 = arith.constant 15 : index
      %get3A_342 = arith.constant 0 : index
      %get3A_343 = arith.constant 0 : index
      %get3A_344 = vector.load %arg12[%get3A_341, %get3A_342, %get3A_343] : memref<20x1x5000xf32, #tpu.memory_space<vmem>>, vector<1x1x5000xf32>
      %get3A_345 = vector.shape_cast %get3A_344 : vector<1x1x5000xf32> to vector<1x5000xf32>
      %sub3A_346 = vector.broadcast %add3A_145 : vector<1x1xf32> to vector<1x5000xf32>
      %sub3A_347 = arith.subf %get3A_345, %sub3A_346 : vector<1x5000xf32>
      %swap3A_348 = arith.constant 15 : index
      %swap3A_349 = arith.constant 0 : index
      %swap3A_350 = arith.constant 0 : index
      %swap3A_351 = vector.load %arg12[%swap3A_348, %swap3A_349, %swap3A_350] : memref<20x1x5000xf32, #tpu.memory_space<vmem>>, vector<1x1x5000xf32>
      %swap3A_352 = vector.shape_cast %swap3A_351 : vector<1x1x5000xf32> to vector<1x5000xf32>
      %swap3A_353 = vector.shape_cast %sub3A_347 : vector<1x5000xf32> to vector<1x1x5000xf32>
      tpu.vector_store %arg12[%swap3A_348, %swap3A_349, %swap3A_350], %swap3A_353 {strides = array<i32>} : memref<20x1x5000xf32, #tpu.memory_space<vmem>>, vector<1x1x5000xf32>,
      %get3A_354 = arith.constant 16 : index
      %get3A_355 = arith.constant 0 : index
      %get3A_356 = arith.constant 0 : index
      %get3A_357 = vector.load %arg12[%get3A_354, %get3A_355, %get3A_356] : memref<20x1x5000xf32, #tpu.memory_space<vmem>>, vector<1x1x5000xf32>
      %get3A_358 = vector.shape_cast %get3A_357 : vector<1x1x5000xf32> to vector<1x5000xf32>
      %sub3A_359 = vector.broadcast %add3A_145 : vector<1x1xf32> to vector<1x5000xf32>
      %sub3A_360 = arith.subf %get3A_358, %sub3A_359 : vector<1x5000xf32>
      %swap3A_361 = arith.constant 16 : index
      %swap3A_362 = arith.constant 0 : index
      %swap3A_363 = arith.constant 0 : index
      %swap3A_364 = vector.load %arg12[%swap3A_361, %swap3A_362, %swap3A_363] : memref<20x1x5000xf32, #tpu.memory_space<vmem>>, vector<1x1x5000xf32>
      %swap3A_365 = vector.shape_cast %swap3A_364 : vector<1x1x5000xf32> to vector<1x5000xf32>
      %swap3A_366 = vector.shape_cast %sub3A_360 : vector<1x5000xf32> to vector<1x1x5000xf32>
      tpu.vector_store %arg12[%swap3A_361, %swap3A_362, %swap3A_363], %swap3A_366 {strides = array<i32>} : memref<20x1x5000xf32, #tpu.memory_space<vmem>>, vector<1x1x5000xf32>,
      %get3A_367 = arith.constant 17 : index
      %get3A_368 = arith.constant 0 : index
      %get3A_369 = arith.constant 0 : index
      %get3A_370 = vector.load %arg12[%get3A_367, %get3A_368, %get3A_369] : memref<20x1x5000xf32, #tpu.memory_space<vmem>>, vector<1x1x5000xf32>
      %get3A_371 = vector.shape_cast %get3A_370 : vector<1x1x5000xf32> to vector<1x5000xf32>
      %sub3A_372 = vector.broadcast %add3A_145 : vector<1x1xf32> to vector<1x5000xf32>
      %sub3A_373 = arith.subf %get3A_371, %sub3A_372 : vector<1x5000xf32>
      %swap3A_374 = arith.constant 17 : index
      %swap3A_375 = arith.constant 0 : index
      %swap3A_376 = arith.constant 0 : index
      %swap3A_377 = vector.load %arg12[%swap3A_374, %swap3A_375, %swap3A_376] : memref<20x1x5000xf32, #tpu.memory_space<vmem>>, vector<1x1x5000xf32>
      %swap3A_378 = vector.shape_cast %swap3A_377 : vector<1x1x5000xf32> to vector<1x5000xf32>
      %swap3A_379 = vector.shape_cast %sub3A_373 : vector<1x5000xf32> to vector<1x1x5000xf32>
      tpu.vector_store %arg12[%swap3A_374, %swap3A_375, %swap3A_376], %swap3A_379 {strides = array<i32>} : memref<20x1x5000xf32, #tpu.memory_space<vmem>>, vector<1x1x5000xf32>,
      %get3A_380 = arith.constant 18 : index
      %get3A_381 = arith.constant 0 : index
      %get3A_382 = arith.constant 0 : index
      %get3A_383 = vector.load %arg12[%get3A_380, %get3A_381, %get3A_382] : memref<20x1x5000xf32, #tpu.memory_space<vmem>>, vector<1x1x5000xf32>
      %get3A_384 = vector.shape_cast %get3A_383 : vector<1x1x5000xf32> to vector<1x5000xf32>
      %sub3A_385 = vector.broadcast %add3A_145 : vector<1x1xf32> to vector<1x5000xf32>
      %sub3A_386 = arith.subf %get3A_384, %sub3A_385 : vector<1x5000xf32>
      %swap3A_387 = arith.constant 18 : index
      %swap3A_388 = arith.constant 0 : index
      %swap3A_389 = arith.constant 0 : index
      %swap3A_390 = vector.load %arg12[%swap3A_387, %swap3A_388, %swap3A_389] : memref<20x1x5000xf32, #tpu.memory_space<vmem>>, vector<1x1x5000xf32>
      %swap3A_391 = vector.shape_cast %swap3A_390 : vector<1x1x5000xf32> to vector<1x5000xf32>
      %swap3A_392 = vector.shape_cast %sub3A_386 : vector<1x5000xf32> to vector<1x1x5000xf32>
      tpu.vector_store %arg12[%swap3A_387, %swap3A_388, %swap3A_389], %swap3A_392 {strides = array<i32>} : memref<20x1x5000xf32, #tpu.memory_space<vmem>>, vector<1x1x5000xf32>,
      %get3A_393 = arith.constant 19 : index
      %get3A_394 = arith.constant 0 : index
      %get3A_395 = arith.constant 0 : index
      %get3A_396 = vector.load %arg12[%get3A_393, %get3A_394, %get3A_395] : memref<20x1x5000xf32, #tpu.memory_space<vmem>>, vector<1x1x5000xf32>
      %get3A_397 = vector.shape_cast %get3A_396 : vector<1x1x5000xf32> to vector<1x5000xf32>
      %sub3A_398 = vector.broadcast %add3A_145 : vector<1x1xf32> to vector<1x5000xf32>
      %sub3A_399 = arith.subf %get3A_397, %sub3A_398 : vector<1x5000xf32>
      %swap3A_400 = arith.constant 19 : index
      %swap3A_401 = arith.constant 0 : index
      %swap3A_402 = arith.constant 0 : index
      %swap3A_403 = vector.load %arg12[%swap3A_400, %swap3A_401, %swap3A_402] : memref<20x1x5000xf32, #tpu.memory_space<vmem>>, vector<1x1x5000xf32>
      %swap3A_404 = vector.shape_cast %swap3A_403 : vector<1x1x5000xf32> to vector<1x5000xf32>
      %swap3A_405 = vector.shape_cast %sub3A_399 : vector<1x5000xf32> to vector<1x1x5000xf32>
      tpu.vector_store %arg12[%swap3A_400, %swap3A_401, %swap3A_402], %swap3A_405 {strides = array<i32>} : memref<20x1x5000xf32, #tpu.memory_space<vmem>>, vector<1x1x5000xf32>,
    } else {
    }
    return
  }
  func.func @transform_0(%arg0: i32) -> (i32, i32) {
    %c0_i32 = arith.constant 0 : i32
    %c0_i32_0 = arith.constant 0 : i32
    %c0_i32_1 = arith.constant 0 : i32
    return %c0_i32, %c0_i32_0 : i32, i32
  }
  func.func @transform_1(%arg0: i32) -> (i32, i32) {
    %c0_i32 = arith.constant 0 : i32
    %c0_i32_0 = arith.constant 0 : i32
    %c0_i32_1 = arith.constant 0 : i32
    return %c0_i32, %c0_i32_0 : i32, i32
  }
  func.func @transform_2(%arg0: i32) -> (i32, i32) {
    %c0_i32 = arith.constant 0 : i32
    %c0_i32_0 = arith.constant 0 : i32
    %c0_i32_1 = arith.constant 0 : i32
    return %c0_i32, %c0_i32_0 : i32, i32
  }
  func.func @transform_3(%arg0: i32) -> (i32, i32, i32) {
    %add3A = arith.constant 0 : i32
    %add3A_0 = arith.addi %add3A, %arg0 : i32
    %c0_i32 = arith.constant 0 : i32
    %c0_i32_1 = arith.constant 0 : i32
    %c0_i32_2 = arith.constant 0 : i32
    return %add3A_0, %c0_i32, %c0_i32_1 : i32, i32, i32
  }
  func.func @transform_4(%arg0: i32) -> (i32, i32, i32) {
    %add3A = arith.constant 0 : i32
    %add3A_0 = arith.addi %add3A, %arg0 : i32
    %c0_i32 = arith.constant 0 : i32
    %c0_i32_1 = arith.constant 0 : i32
    %c0_i32_2 = arith.constant 0 : i32
    return %add3A_0, %c0_i32, %c0_i32_1 : i32, i32, i32
  }
  func.func @transform_5(%arg0: i32) -> (i32, i32, i32) {
    %add3A = arith.constant 5 : i32
    %add3A_0 = arith.addi %add3A, %arg0 : i32
    %c0_i32 = arith.constant 0 : i32
    %c0_i32_1 = arith.constant 0 : i32
    %c0_i32_2 = arith.constant 0 : i32
    return %add3A_0, %c0_i32, %c0_i32_1 : i32, i32, i32
  }
  func.func @transform_6(%arg0: i32) -> (i32, i32, i32) {
    %add3A = arith.constant 5 : i32
    %add3A_0 = arith.addi %add3A, %arg0 : i32
    %c0_i32 = arith.constant 0 : i32
    %c0_i32_1 = arith.constant 0 : i32
    %c0_i32_2 = arith.constant 0 : i32
    return %add3A_0, %c0_i32, %c0_i32_1 : i32, i32, i32
  }
  func.func @transform_7(%arg0: i32) -> (i32, i32, i32) {
    %add3A = arith.constant 10 : i32
    %add3A_0 = arith.addi %add3A, %arg0 : i32
    %c0_i32 = arith.constant 0 : i32
    %c0_i32_1 = arith.constant 0 : i32
    %c0_i32_2 = arith.constant 0 : i32
    return %add3A_0, %c0_i32, %c0_i32_1 : i32, i32, i32
  }
  func.func @transform_8(%arg0: i32) -> (i32, i32, i32) {
    %add3A = arith.constant 10 : i32
    %add3A_0 = arith.addi %add3A, %arg0 : i32
    %c0_i32 = arith.constant 0 : i32
    %c0_i32_1 = arith.constant 0 : i32
    %c0_i32_2 = arith.constant 0 : i32
    return %add3A_0, %c0_i32, %c0_i32_1 : i32, i32, i32
  }
  func.func @transform_9(%arg0: i32) -> (i32, i32, i32) {
    %add3A = arith.constant 15 : i32
    %add3A_0 = arith.addi %add3A, %arg0 : i32
    %c0_i32 = arith.constant 0 : i32
    %c0_i32_1 = arith.constant 0 : i32
    %c0_i32_2 = arith.constant 0 : i32
    return %add3A_0, %c0_i32, %c0_i32_1 : i32, i32, i32
  }
  func.func @transform_10(%arg0: i32) -> (i32, i32, i32) {
    %add3A = arith.constant 15 : i32
    %add3A_0 = arith.addi %add3A, %arg0 : i32
    %c0_i32 = arith.constant 0 : i32
    %c0_i32_1 = arith.constant 0 : i32
    %c0_i32_2 = arith.constant 0 : i32
    return %add3A_0, %c0_i32, %c0_i32_1 : i32, i32, i32
  }
  func.func @transform_11(%arg0: i32) -> (i32, i32, i32) {
    %c0_i32 = arith.constant 0 : i32
    %c0_i32_0 = arith.constant 0 : i32
    %c0_i32_1 = arith.constant 0 : i32
    %c0_i32_2 = arith.constant 0 : i32
    return %c0_i32, %c0_i32_0, %c0_i32_1 : i32, i32, i32
  }
}

</mosaic_0001>

<sc_bundles>
// kernel: kernel.4.cloned.1.call-start
scs
__scs_entry_jumppad:
0x0: {  	(pc) =	sbr.rel $0x88, $3  }
0x1: {  	(tag) =	ssettag $0x0;
	lr =	simm.s32 $0x1  }
0x2: {  	[smem:$0x3F9B] =	sst lr;
	_ =	strace $0xD0000000  }
0x3: {  	_ = 	snop  }
0x4: {  	_ = 	snop  }
0x5: {  	_ = 	snop  }
0x6: {  	_ = 	snop  }
0x7: {  	_ = 	snop  }
__scs_overlays_trampoline_lowered:
0x8: {  	[smem:$0x3FAA] =	sst s0  }
0x9: {  	[smem:$0x3FAB] =	sst s1  }
0xa: {  	[smem:$0x3FAC] =	sst s2  }
0xb: {  	[smem:$0x3FAD] =	sst s3  }
0xc: {  	[smem:$0x3FAE] =	sst s4  }
0xd: {  	[smem:$0x3FAF] =	sst s5  }
0xe: {  	[smem:$0x3FB0] =	sst s6  }
0xf: {  	[smem:$0x3FB1] =	sst s7  }
0x10: {  	[smem:$0x3FB2] =	sst s8  }
0x11: {  	[smem:$0x3FB3] =	sst s9;
	s0 =	simm.s32 @!p0 $0x0  }
0x12: {  	s1 =	sld [smem:$0x3F99];
	s0 =	simm.s32 @p0 $0x1  }
0x13: {  	[smem:$0x3FB4] =	sst s0;
	s0 =	simm.s32 @!p1 $0x0  }
0x14: {  	s2 =	sld [smem:$0x3F98];
	s0 =	simm.s32 @p1 $0x1  }
0x15: {  	[smem:$0x3FB5] =	sst s0;
	s0 =	simm.s32 @!p2 $0x0  }
0x16: {  	s3 =	sld [smem:$0x3FDB];
	s0 =	simm.s32 @p2 $0x1  }
0x17: {  	s4 =	simm.s32 $0x1BF5;
	[smem:$0x3FB7] =	sst s0  }
0x18: {  	s0 =	sld [smem:$0x3F9A];
	_ =	swait.ge [sflag:s4], $0x0  }
0x19: {  	s7 =	sld [smem:$0x3F9B]  }
0x1a: {  	s8 =	sadd.s32 $0xFFFFE003, lr  }
0x1b: {  	s9 =	sadd.s32 $0xFFFFFEF7, lr;
	s5 =	simm.s32 $0xFFFFFFFF;
	p2 =	slt.u32 s8, $0xFFFFF086  }
0x1c: {  	p1 =	slt.u32 s9, $0xF7A;
	s5 =	simm.s32 @!p2 $0x0  }
0x1d: {  	s5 =	simm.s32 @p1 $0x1;
	p0 =	seq.s32 s7, s2  }
0x1e: {  	s7 =	smul.u32 @!p0 $0xF7A, s2;
	p2 =	seq.s32 @!p0 s5, $0x0  }
0x1f: {  	s9 =	smul.u32 $0xF7A, s1;
	s8 =	simm.s32 @!p0 $0x1BF5;
	p2 =	por !p2, p0  }
0x20: {  	[sflag:s8] =	ssyncset.s32 @!p0 $0xFFFFF086;
	s6 =	sadd.s32 @!p0 s3, s7;
	s7 =	simm.s32 @!p0 $0x108  }
0x21: {  	s3 =	sadd.s32 s3, s9;
	s6 =	sadd.s32 @!p0 $0x88, s6;
	s7 =	simm.s32 @p2 $0x1082  }
0x22: {  	[simem:s7], [sflag:s8] =	dma.local @!p0 [hbm:s6], $0xF7A  }
0x23: {  	s9 =	sor.u32 $0xD0000000, s2;
	s6 =	simm.s32 $0x108;
	_ =	swait.ge @!p0 [sflag:s8], $0x0  }
0x24: {  	s3 =	sadd.s32 $0x88, s3;
	s6 =	simm.s32 @!p1 $0x1082;
	[sflag:s4] =	ssyncset.s32 $0xFFFFF086  }
0x25: {  	[simem:s6], [sflag:s4] =	dma.local [hbm:s3], $0xF7A  }
0x26: {  	[smem:$0x3F9B] =	sst s1;
	(tag) =	ssettag s2;
	_ =	strace s9  }
0x27: {  	s1 =	sld [smem:$0x3FAB]  }
0x28: {  	s2 =	sld [smem:$0x3FAC]  }
0x29: {  	s4 =	sld [smem:$0x3FAE]  }
0x2a: {  	p0 =	seq.s32 s5, $0x0;
	s5 =	sld [smem:$0x3FAF]  }
0x2b: {  	s6 =	sld [smem:$0x3FB0]  }
0x2c: {  	s7 =	sld [smem:$0x3FB1]  }
0x2d: {  	s3 =	simm.s32 $0x108;
	s8 =	sld [smem:$0x3FB2]  }
0x2e: {  	s3 =	simm.s32 @!p0 $0x1082;
	s9 =	sld [smem:$0x3FB3]  }
0x2f: {  	lr =	sadd.s32 s0, s3;
	s0 =	sld [smem:$0x3FAA]  }
0x30: {  	s3 =	sld [smem:$0x3FAD]  }
0x31: {  	[smem:$0x3FB6] =	sst s10  }
0x32: {  	s10 =	sld [smem:$0x3FB4];
	_ =	sdelay $0x3  }
0x33: {  	p0 =	seq.s32 s10, $0x1;
	s10 =	sld [smem:$0x3FB6];
	_ =	sdelay $0x3  }
0x34: {  	[smem:$0x3FB6] =	sst s10  }
0x35: {  	s10 =	sld [smem:$0x3FB5];
	_ =	sdelay $0x3  }
0x36: {  	p1 =	seq.s32 s10, $0x1;
	s10 =	sld [smem:$0x3FB6];
	_ =	sdelay $0x3  }
0x37: {  	[smem:$0x3FB6] =	sst s10  }
0x38: {  	s10 =	sld [smem:$0x3FB7]  }
0x39: {  	_ = 	snop;
	(pc) =	sbr.ind lr, $3  }
0x3a: {  	_ = 	snop  }
0x3b: {  	_ = 	snop  }
0x3c: {  	p2 =	seq.s32 s10, $0x1;
	s10 =	sld [smem:$0x3FB6]  }
0x3d: {  	_ =	shalt  }
0x3e: {  	_ =	shalt  }
0x3f: {  	_ =	shalt  }
0x40: {  	_ =	shalt  }
0x41: {  	_ =	shalt  }
0x42: {  	_ =	shalt  }
0x43: {  	_ =	shalt  }
0x44: {  	_ =	shalt  }
0x45: {  	_ =	shalt  }
0x46: {  	_ =	shalt  }
0x47: {  	_ =	shalt  }
0x48: {  	_ =	shalt  }
0x49: {  	_ =	shalt  }
0x4a: {  	_ =	shalt  }
0x4b: {  	_ =	shalt  }
0x4c: {  	_ =	shalt  }
0x4d: {  	_ =	shalt  }
0x4e: {  	_ =	shalt  }
0x4f: {  	_ =	shalt  }
0x50: {  	_ =	shalt  }
0x51: {  	_ =	shalt  }
0x52: {  	_ =	shalt  }
0x53: {  	_ =	shalt  }
0x54: {  	_ =	shalt  }
0x55: {  	_ =	shalt  }
0x56: {  	_ =	shalt  }
0x57: {  	_ =	shalt  }
0x58: {  	_ =	shalt  }
0x59: {  	_ =	shalt  }
0x5a: {  	_ =	shalt  }
0x5b: {  	_ =	shalt  }
0x5c: {  	_ =	shalt  }
0x5d: {  	_ =	shalt  }
0x5e: {  	_ =	shalt  }
0x5f: {  	_ =	shalt  }
0x60: {  	_ =	shalt  }
0x61: {  	_ =	shalt  }
0x62: {  	_ =	shalt  }
0x63: {  	_ =	shalt  }
0x64: {  	_ =	shalt  }
0x65: {  	_ =	shalt  }
0x66: {  	_ =	shalt  }
0x67: {  	_ =	shalt  }
0x68: {  	_ =	shalt  }
0x69: {  	_ =	shalt  }
0x6a: {  	_ =	shalt  }
0x6b: {  	_ =	shalt  }
0x6c: {  	_ =	shalt  }
0x6d: {  	_ =	shalt  }
0x6e: {  	_ =	shalt  }
0x6f: {  	_ =	shalt  }
0x70: {  	_ =	shalt  }
0x71: {  	_ =	shalt  }
0x72: {  	_ =	shalt  }
0x73: {  	_ =	shalt  }
0x74: {  	_ =	shalt  }
0x75: {  	_ =	shalt  }
0x76: {  	_ =	shalt  }
0x77: {  	_ =	shalt  }
0x78: {  	_ =	shalt  }
0x79: {  	_ =	shalt  }
0x7a: {  	_ =	shalt  }
0x7b: {  	_ =	shalt  }
0x7c: {  	_ =	shalt  }
0x7d: {  	_ =	shalt  }
0x7e: {  	_ =	shalt  }
0x7f: {  	_ =	shalt  }
0x80: {  	_ =	shalt  }
0x81: {  	_ =	shalt  }
0x82: {  	_ =	shalt  }
0x83: {  	_ =	shalt  }
0x84: {  	_ =	shalt  }
0x85: {  	_ =	shalt  }
0x86: {  	_ =	shalt  }
0x87: {  	_ =	shalt  }
.Lfunc_end0:
.L_simem_size_0:
called_computation_lowered:
.L_overlay_start_0:
0x88: {  	s0 =	sld [smem:$0x3FD9]  }
0x89: {  	s1 =	sld [smem:$0x3FFE];
	_ =	sdelay $0x3  }
0x8a: {  	s0 =	sadd.s32 s1, s0  }
0x8b: {  	s3 =	simm.s32 $0x0;
	[smem:$0x3FC2] =	sst s0  }
0x8c: {  	[smem:$0xF] =	sst s3  }
0x8d: {  	s0 =	sld [smem:$0x3FC9]  }
0x8e: {  	s29 =	sld [smem:$0x3FC8]  }
0x8f: {  	s2 =	sld [smem:$0x3FD0];
	(tm) =	ssettm $0x1  }
0x90: {  	s30 =	sld [smem:$0x3FFB];
	_ =	sdelay $0x3  }
0x91: {  	_ =	strace s30  }
0x92: {  	s3 =	sld [smem:$0x3FFC];
	_ =	sdelay $0x3  }
0x93: {  	_ =	strace s3  }
0x94: {  	s3 =	sld [smem:$0x3FFD];
	_ =	sdelay $0x3  }
0x95: {  	_ =	strace s3  }
0x96: {  	s31 =	simm.s32 $0x1B8B;
	_ =	strace $0x8FFFFFFF  }
0x97: {  	_ =	swait.ge [sflag:s31], $0x1  }
0x98: {  	[sflag:s31] =	ssyncset.done $0x0  }
0x99: {  	s4 =	simm.s32 $0x1B8E;
	[sflag:s31] =	ssyncadd.s32 $0xFFFFFFFF  }
0x9a: {  	[smem:$0x3FD2] =	sst s4  }
0x9b: {  	s5 =	simm.s32 $0xA;
	s4 =	simm.s32 $0x10;
	_ =	strace $0x80000046  }
0x9c: {  	[smem:s4], [sflag:s5] =	dma.local [hbm:s0], $0x10  }
0x9d: {  	_ =	swait.ge [sflag:s5], $0x10  }
0x9e: {  	[sflag:s5] =	ssyncset.done $0x0  }
0x9f: {  	[sflag:s5] =	ssyncadd.s32 $0xFFFFFFF0  }
0xa0: {  	s6 =	sld [smem:$0x10];
	_ =	sdelay $0x3  }
0xa1: {  	s0 =	sshll.u32 s6, $0x4  }
0xa2: {  	s0 =	sand.u32 $0x1FFFFFF0, s0  }
0xa3: {  	s8 =	simm.s32 $0x9;
	s7 =	sadd.s32 s29, s0  }
0xa4: {  	[hbm:s2], [sflag:s8] =	dma.local [hbm:s7], $0x10  }
0xa5: {  	s3 =	sld [smem:$0x11];
	_ =	sdelay $0x3  }
0xa6: {  	s3 =	sshll.u32 s3, $0x4  }
0xa7: {  	s3 =	sand.u32 $0x1FFFFFF0, s3  }
0xa8: {  	s9 =	sadd.s32 $0x10, s2;
	s3 =	sadd.s32 s29, s3  }
0xa9: {  	[hbm:s9], [sflag:s8] =	dma.local [hbm:s3], $0x10  }
0xaa: {  	s3 =	sld [smem:$0x12];
	_ =	sdelay $0x3  }
0xab: {  	s3 =	sshll.u32 s3, $0x4  }
0xac: {  	s3 =	sand.u32 $0x1FFFFFF0, s3  }
0xad: {  	s10 =	sadd.s32 $0x20, s2;
	s3 =	sadd.s32 s29, s3  }
0xae: {  	[hbm:s10], [sflag:s8] =	dma.local [hbm:s3], $0x10  }
0xaf: {  	s3 =	sld [smem:$0x13];
	_ =	sdelay $0x3  }
0xb0: {  	s3 =	sshll.u32 s3, $0x4  }
0xb1: {  	s3 =	sand.u32 $0x1FFFFFF0, s3  }
0xb2: {  	s11 =	sadd.s32 $0x30, s2;
	s3 =	sadd.s32 s29, s3  }
0xb3: {  	[hbm:s11], [sflag:s8] =	dma.local [hbm:s3], $0x10  }
0xb4: {  	s3 =	sld [smem:$0x14];
	_ =	sdelay $0x3  }
0xb5: {  	s3 =	sshll.u32 s3, $0x4  }
0xb6: {  	s3 =	sand.u32 $0x1FFFFFF0, s3  }
0xb7: {  	s12 =	sadd.s32 $0x40, s2;
	s3 =	sadd.s32 s29, s3  }
0xb8: {  	[hbm:s12], [sflag:s8] =	dma.local [hbm:s3], $0x10  }
0xb9: {  	s3 =	sld [smem:$0x15];
	_ =	sdelay $0x3  }
0xba: {  	s3 =	sshll.u32 s3, $0x4  }
0xbb: {  	s3 =	sand.u32 $0x1FFFFFF0, s3  }
0xbc: {  	s13 =	sadd.s32 $0x50, s2;
	s3 =	sadd.s32 s29, s3  }
0xbd: {  	[hbm:s13], [sflag:s8] =	dma.local [hbm:s3], $0x10  }
0xbe: {  	s3 =	sld [smem:$0x16];
	_ =	sdelay $0x3  }
0xbf: {  	s3 =	sshll.u32 s3, $0x4  }
0xc0: {  	s3 =	sand.u32 $0x1FFFFFF0, s3  }
0xc1: {  	s14 =	sadd.s32 $0x60, s2;
	s3 =	sadd.s32 s29, s3  }
0xc2: {  	[hbm:s14], [sflag:s8] =	dma.local [hbm:s3], $0x10  }
0xc3: {  	s3 =	sld [smem:$0x17];
	_ =	sdelay $0x3  }
0xc4: {  	s3 =	sshll.u32 s3, $0x4  }
0xc5: {  	s3 =	sand.u32 $0x1FFFFFF0, s3  }
0xc6: {  	s15 =	sadd.s32 $0x70, s2;
	s3 =	sadd.s32 s29, s3  }
0xc7: {  	[hbm:s15], [sflag:s8] =	dma.local [hbm:s3], $0x10  }
0xc8: {  	s3 =	sld [smem:$0x18];
	_ =	sdelay $0x3  }
0xc9: {  	s3 =	sshll.u32 s3, $0x4  }
0xca: {  	s3 =	sand.u32 $0x1FFFFFF0, s3  }
0xcb: {  	s16 =	sadd.s32 $0x80, s2;
	s3 =	sadd.s32 s29, s3  }
0xcc: {  	[hbm:s16], [sflag:s8] =	dma.local [hbm:s3], $0x10  }
0xcd: {  	s3 =	sld [smem:$0x19];
	_ =	sdelay $0x3  }
0xce: {  	s3 =	sshll.u32 s3, $0x4  }
0xcf: {  	s3 =	sand.u32 $0x1FFFFFF0, s3  }
0xd0: {  	s17 =	sadd.s32 $0x90, s2;
	s3 =	sadd.s32 s29, s3  }
0xd1: {  	[hbm:s17], [sflag:s8] =	dma.local [hbm:s3], $0x10  }
0xd2: {  	s3 =	sld [smem:$0x1A];
	_ =	sdelay $0x3  }
0xd3: {  	s3 =	sshll.u32 s3, $0x4  }
0xd4: {  	s3 =	sand.u32 $0x1FFFFFF0, s3  }
0xd5: {  	s18 =	sadd.s32 $0xA0, s2;
	s3 =	sadd.s32 s29, s3  }
0xd6: {  	[hbm:s18], [sflag:s8] =	dma.local [hbm:s3], $0x10  }
0xd7: {  	s3 =	sld [smem:$0x1B];
	_ =	sdelay $0x3  }
0xd8: {  	s3 =	sshll.u32 s3, $0x4  }
0xd9: {  	s3 =	sand.u32 $0x1FFFFFF0, s3  }
0xda: {  	s19 =	sadd.s32 $0xB0, s2;
	s3 =	sadd.s32 s29, s3  }
0xdb: {  	[hbm:s19], [sflag:s8] =	dma.local [hbm:s3], $0x10  }
0xdc: {  	s3 =	sld [smem:$0x1C];
	_ =	sdelay $0x3  }
0xdd: {  	s3 =	sshll.u32 s3, $0x4  }
0xde: {  	s3 =	sand.u32 $0x1FFFFFF0, s3  }
0xdf: {  	s20 =	sadd.s32 $0xC0, s2;
	s3 =	sadd.s32 s29, s3  }
0xe0: {  	[hbm:s20], [sflag:s8] =	dma.local [hbm:s3], $0x10  }
0xe1: {  	s3 =	sld [smem:$0x1D];
	_ =	sdelay $0x3  }
0xe2: {  	s3 =	sshll.u32 s3, $0x4  }
0xe3: {  	s3 =	sand.u32 $0x1FFFFFF0, s3  }
0xe4: {  	s21 =	sadd.s32 $0xD0, s2;
	s3 =	sadd.s32 s29, s3  }
0xe5: {  	[hbm:s21], [sflag:s8] =	dma.local [hbm:s3], $0x10  }
0xe6: {  	s3 =	sld [smem:$0x1E];
	_ =	sdelay $0x3  }
0xe7: {  	s3 =	sshll.u32 s3, $0x4  }
0xe8: {  	s3 =	sand.u32 $0x1FFFFFF0, s3  }
0xe9: {  	s22 =	sadd.s32 $0xE0, s2;
	s3 =	sadd.s32 s29, s3  }
0xea: {  	[hbm:s22], [sflag:s8] =	dma.local [hbm:s3], $0x10  }
0xeb: {  	s3 =	sld [smem:$0x1F];
	_ =	sdelay $0x3  }
0xec: {  	s3 =	sshll.u32 s3, $0x4  }
0xed: {  	s3 =	sand.u32 $0x1FFFFFF0, s3  }
0xee: {  	s23 =	sadd.s32 $0xF0, s2;
	s3 =	sadd.s32 s29, s3  }
0xef: {  	[hbm:s23], [sflag:s8] =	dma.local [hbm:s3], $0x10  }
0xf0: {  	s3 =	sld [smem:$0x20];
	_ =	sdelay $0x3  }
0xf1: {  	s3 =	sshll.u32 s3, $0x4  }
0xf2: {  	s3 =	sand.u32 $0x1FFFFFF0, s3  }
0xf3: {  	s24 =	sadd.s32 $0x100, s2;
	s3 =	sadd.s32 s29, s3  }
0xf4: {  	[hbm:s24], [sflag:s8] =	dma.local [hbm:s3], $0x10  }
0xf5: {  	s3 =	sld [smem:$0x21];
	_ =	sdelay $0x3  }
0xf6: {  	s3 =	sshll.u32 s3, $0x4  }
0xf7: {  	s3 =	sand.u32 $0x1FFFFFF0, s3  }
0xf8: {  	s25 =	sadd.s32 $0x110, s2;
	s3 =	sadd.s32 s29, s3  }
0xf9: {  	[hbm:s25], [sflag:s8] =	dma.local [hbm:s3], $0x10  }
0xfa: {  	s3 =	sld [smem:$0x22];
	_ =	sdelay $0x3  }
0xfb: {  	s3 =	sshll.u32 s3, $0x4  }
0xfc: {  	s3 =	sand.u32 $0x1FFFFFF0, s3  }
0xfd: {  	s26 =	sadd.s32 $0x120, s2;
	s3 =	sadd.s32 s29, s3  }
0xfe: {  	[hbm:s26], [sflag:s8] =	dma.local [hbm:s3], $0x10  }
0xff: {  	s3 =	sld [smem:$0x23];
	_ =	sdelay $0x3  }
0x100: {  	s3 =	sshll.u32 s3, $0x4  }
0x101: {  	s3 =	sand.u32 $0x1FFFFFF0, s3  }
0x102: {  	s2 =	sadd.s32 $0x130, s2;
	s1 =	sadd.s32 s29, s3  }
0x103: {  	[hbm:s2], [sflag:s8] =	dma.local [hbm:s1], $0x10  }
0x104: {  	_ =	swait.ge [sflag:s8], $0x10  }
0x105: {  	[sflag:s8] =	ssyncset.done $0x0  }
0x106: {  	[sflag:s8] =	ssyncadd.s32 $0xFFFFFFF0;
	_ =	sdelay $0x2  }
0x107: {  	_ =	swait.ge [sflag:s8], $0x10  }
0x108: {  	[sflag:s8] =	ssyncset.done $0x0  }
0x109: {  	[sflag:s8] =	ssyncadd.s32 $0xFFFFFFF0;
	_ =	sdelay $0x2  }
0x10a: {  	_ =	swait.ge [sflag:s8], $0x10  }
0x10b: {  	[sflag:s8] =	ssyncset.done $0x0  }
0x10c: {  	[sflag:s8] =	ssyncadd.s32 $0xFFFFFFF0;
	_ =	sdelay $0x2  }
0x10d: {  	_ =	swait.ge [sflag:s8], $0x10  }
0x10e: {  	[sflag:s8] =	ssyncset.done $0x0  }
0x10f: {  	[sflag:s8] =	ssyncadd.s32 $0xFFFFFFF0;
	_ =	sdelay $0x2  }
0x110: {  	_ =	swait.ge [sflag:s8], $0x10  }
0x111: {  	[sflag:s8] =	ssyncset.done $0x0  }
0x112: {  	[sflag:s8] =	ssyncadd.s32 $0xFFFFFFF0;
	_ =	sdelay $0x2  }
0x113: {  	_ =	swait.ge [sflag:s8], $0x10  }
0x114: {  	[sflag:s8] =	ssyncset.done $0x0  }
0x115: {  	[sflag:s8] =	ssyncadd.s32 $0xFFFFFFF0;
	_ =	sdelay $0x2  }
0x116: {  	_ =	swait.ge [sflag:s8], $0x10  }
0x117: {  	[sflag:s8] =	ssyncset.done $0x0  }
0x118: {  	[sflag:s8] =	ssyncadd.s32 $0xFFFFFFF0;
	_ =	sdelay $0x2  }
0x119: {  	_ =	swait.ge [sflag:s8], $0x10  }
0x11a: {  	[sflag:s8] =	ssyncset.done $0x0  }
0x11b: {  	[sflag:s8] =	ssyncadd.s32 $0xFFFFFFF0;
	_ =	sdelay $0x2  }
0x11c: {  	_ =	swait.ge [sflag:s8], $0x10  }
0x11d: {  	[sflag:s8] =	ssyncset.done $0x0  }
0x11e: {  	[sflag:s8] =	ssyncadd.s32 $0xFFFFFFF0;
	_ =	sdelay $0x2  }
0x11f: {  	_ =	swait.ge [sflag:s8], $0x10  }
0x120: {  	[sflag:s8] =	ssyncset.done $0x0  }
0x121: {  	[sflag:s8] =	ssyncadd.s32 $0xFFFFFFF0;
	_ =	sdelay $0x2  }
0x122: {  	_ =	swait.ge [sflag:s8], $0x10  }
0x123: {  	[sflag:s8] =	ssyncset.done $0x0  }
0x124: {  	[sflag:s8] =	ssyncadd.s32 $0xFFFFFFF0;
	_ =	sdelay $0x2  }
0x125: {  	_ =	swait.ge [sflag:s8], $0x10  }
0x126: {  	[sflag:s8] =	ssyncset.done $0x0  }
0x127: {  	[sflag:s8] =	ssyncadd.s32 $0xFFFFFFF0;
	_ =	sdelay $0x2  }
0x128: {  	_ =	swait.ge [sflag:s8], $0x10  }
0x129: {  	[sflag:s8] =	ssyncset.done $0x0  }
0x12a: {  	[sflag:s8] =	ssyncadd.s32 $0xFFFFFFF0;
	_ =	sdelay $0x2  }
0x12b: {  	_ =	swait.ge [sflag:s8], $0x10  }
0x12c: {  	[sflag:s8] =	ssyncset.done $0x0  }
0x12d: {  	[sflag:s8] =	ssyncadd.s32 $0xFFFFFFF0;
	_ =	sdelay $0x2  }
0x12e: {  	_ =	swait.ge [sflag:s8], $0x10  }
0x12f: {  	[sflag:s8] =	ssyncset.done $0x0  }
0x130: {  	[sflag:s8] =	ssyncadd.s32 $0xFFFFFFF0;
	_ =	sdelay $0x2  }
0x131: {  	_ =	swait.ge [sflag:s8], $0x10  }
0x132: {  	[sflag:s8] =	ssyncset.done $0x0  }
0x133: {  	[sflag:s8] =	ssyncadd.s32 $0xFFFFFFF0;
	_ =	sdelay $0x2  }
0x134: {  	_ =	swait.ge [sflag:s8], $0x10  }
0x135: {  	[sflag:s8] =	ssyncset.done $0x0  }
0x136: {  	[sflag:s8] =	ssyncadd.s32 $0xFFFFFFF0;
	_ =	sdelay $0x2  }
0x137: {  	_ =	swait.ge [sflag:s8], $0x10  }
0x138: {  	[sflag:s8] =	ssyncset.done $0x0  }
0x139: {  	[sflag:s8] =	ssyncadd.s32 $0xFFFFFFF0;
	_ =	sdelay $0x2  }
0x13a: {  	_ =	swait.ge [sflag:s8], $0x10  }
0x13b: {  	[sflag:s8] =	ssyncset.done $0x0  }
0x13c: {  	[sflag:s8] =	ssyncadd.s32 $0xFFFFFFF0;
	_ =	sdelay $0x2  }
0x13d: {  	_ =	swait.ge [sflag:s8], $0x10  }
0x13e: {  	[sflag:s8] =	ssyncset.done $0x0  }
0x13f: {  	[sflag:s8] =	ssyncadd.s32 $0xFFFFFFF0  }
0x140: {  	_ =	strace $0x90000046  }
0x141: {  	_ =	sfence  }
0x142: {  	s28 =	sld [smem:$0x0];
	_ =	sdelay $0x1  }
0x143: {  	s29 =	srdreg.scid  }
0x144: {  	s30 =	sshll.u32 s29, $0xD;
	s31 =	sshrl.u32 s29, $0x2  }
0x145: {  	s1 =	sand.u32 $0x1, s29;
	s2 =	sand.u32 $0x4000, s30;
	s0 =	sadd.s32 s31, s28  }
0x146: {  	s1 =	sor.u32 s2, s1;
	s0 =	sshll.u32 s0, $0x11  }
0x147: {  	s0 =	sor.u32 s0, s1  }
0x148: {  	s0 =	sadd.s32 $0x8F2B, s0;
	(pc) =	sbr.abs _section_cstart, $3  }
0x149: {  	[sflag:s0] =	ssyncadd.remote.s32 $0x1  }
0x14a: {  	_ =	strace $0x9FFFFFFF  }
0x14b: {  	(tm) =	ssettm $0x7FFFFFFF  }

</sc_bundles>
